<compile_context>
chip_gen: v7x
topology: tpu7x:2x2x1
jax: 0.10.2.dev20260603
libtpu: 0.0.44.dev20260713+nightly
codegen_flags: <defaults>
</compile_context>

<pallas_src>
import functools

import jax
import jax.numpy as jnp
from jax import lax
from jax.experimental import pallas as pl
from jax.experimental.pallas import tpu as pltpu
from jax.experimental.pallas import tpu_sc as plsc

N_NODES = 10000
N_EDGES = 640000
N_TYPES_PAD = 112
NUM_GRAPHS = 256
TURNOVER = 10.0

NC = 2
NS = 16
NW = NC * NS
L = 16

EDGES_PER_W = N_EDGES // NW
EDGE_ITERS = EDGES_PER_W // L
NODE_ITERS = N_NODES // L
ACC_FLAT = L * NUM_GRAPHS


def _rsqrt16(x):
    xi = plsc.bitcast(x, jnp.int32)
    yi = jnp.int32(0x5F3759DF) - lax.shift_right_logical(xi, jnp.int32(1))
    y = plsc.bitcast(yi, jnp.float32)
    half = x * 0.5
    for _ in range(2):
        y = y * (1.5 - half * y * y)
    return y


def _sc_body(src_hbm, dst_hbm, px_hbm, py_hbm, pz_hbm, at_hbm, mi_hbm,
             rad_hbm, out_lj_hbm, out_no_hbm,
             src_v, dst_v, px_v, py_v, pz_v, at_v, mi_v, rad_v, rn_v,
             acc_lj, acc_no, fin_lj, fin_no):
    wid = lax.axis_index("s") * NC + lax.axis_index("c")
    base = wid * EDGES_PER_W

    pltpu.sync_copy(src_hbm.at[pl.ds(base, EDGES_PER_W)], src_v)
    pltpu.sync_copy(dst_hbm.at[pl.ds(base, EDGES_PER_W)], dst_v)
    pltpu.sync_copy(px_hbm, px_v)
    pltpu.sync_copy(py_hbm, py_v)
    pltpu.sync_copy(pz_hbm, pz_v)
    pltpu.sync_copy(at_hbm, at_v)
    pltpu.sync_copy(mi_hbm, mi_v)
    pltpu.sync_copy(rad_hbm, rad_v)

    zeros = jnp.zeros((L,), jnp.float32)
    l16 = jnp.int32(L)

    @plsc.parallel_loop(jnp.int32(0), jnp.int32(ACC_FLAT), step=jnp.int32(L), unroll=8)
    def _zero(off):
        acc_lj[pl.ds(off, L)] = zeros
        acc_no[pl.ds(off, L)] = zeros

    @plsc.parallel_loop(jnp.int32(0), jnp.int32(N_NODES), step=jnp.int32(L), unroll=4)
    def _rn(off):
        at16 = at_v[pl.ds(off, L)]
        rn_v[pl.ds(off, L)] = plsc.load_gather(rad_v, [at16])

    lane = lax.iota(jnp.int32, L) * jnp.int32(NUM_GRAPHS)

    @plsc.parallel_loop(jnp.int32(0), jnp.int32(NUM_GRAPHS), step=jnp.int32(L),
                        unroll=4)
    def _fold(c):
        tl = acc_lj[pl.ds(c, L)]
        tn = acc_no[pl.ds(c, L)]
        for lidx in range(1, L):
            o = c + jnp.int32(lidx * NUM_GRAPHS)
            tl = tl + acc_lj[pl.ds(o, L)]
            tn = tn + acc_no[pl.ds(o, L)]
        fin_lj[pl.ds(c, L)] = tl
        fin_no[pl.ds(c, L)] = tn

    pltpu.sync_copy(fin_lj, out_lj_hbm.at[wid])
    pltpu.sync_copy(fin_no, out_no_hbm.at[wid])


def _tc_body(lj_ref, no_ref, pot_ref, loss_ref, nov_ref):
    pot = jnp.sum(lj_ref[...], axis=0, keepdims=True)
    nov = jnp.sum(no_ref[...], axis=0, keepdims=True)
    safe = jnp.maximum(pot, TURNOVER)
    loss = jnp.where(pot > TURNOVER,
                     TURNOVER * (1.0 + jnp.log(safe / TURNOVER)),
                     pot)
    pot_ref[...] = pot
    loss_ref[...] = loss
    nov_ref[...] = nov


def kernel(pos, edge_index, atom_types, mol_ids, vdw_radii):
    src = edge_index[0].astype(jnp.int32)
    dst = edge_index[1].astype(jnp.int32)
    pos32 = pos.astype(jnp.float32)
    px = pos32[:, 0]
    py = pos32[:, 1]
    pz = pos32[:, 2]
    at = atom_types.astype(jnp.int32)
    mi = mol_ids.astype(jnp.int32)
    rad = jnp.zeros((N_TYPES_PAD,), jnp.float32).at[: vdw_radii.shape[0]].set(
        vdw_radii.astype(jnp.float32))

    mesh = plsc.VectorSubcoreMesh(
        core_axis_name="c", subcore_axis_name="s",
        num_cores=NC, num_subcores=NS)

    sc = functools.partial(
        pl.kernel,
        out_type=[
            jax.ShapeDtypeStruct((NW, NUM_GRAPHS), jnp.float32),
            jax.ShapeDtypeStruct((NW, NUM_GRAPHS), jnp.float32),
        ],
        mesh=mesh,
        compiler_params=pltpu.CompilerParams(needs_layout_passes=False),
        scratch_types=[
            pltpu.VMEM((EDGES_PER_W,), jnp.int32),
            pltpu.VMEM((EDGES_PER_W,), jnp.int32),
            pltpu.VMEM((N_NODES,), jnp.float32),
            pltpu.VMEM((N_NODES,), jnp.float32),
            pltpu.VMEM((N_NODES,), jnp.float32),
            pltpu.VMEM((N_NODES,), jnp.int32),
            pltpu.VMEM((N_NODES,), jnp.int32),
            pltpu.VMEM((N_TYPES_PAD,), jnp.float32),
            pltpu.VMEM((N_NODES,), jnp.float32),
            pltpu.VMEM((ACC_FLAT,), jnp.float32),
            pltpu.VMEM((ACC_FLAT,), jnp.float32),
            pltpu.VMEM((NUM_GRAPHS,), jnp.float32),
            pltpu.VMEM((NUM_GRAPHS,), jnp.float32),
        ],
    )(_sc_body)

    part_lj, part_no = sc(src, dst, px, py, pz, at, mi, rad)

    pot, loss, nov = pl.pallas_call(
        _tc_body,
        out_shape=[jax.ShapeDtypeStruct((1, NUM_GRAPHS), jnp.float32)] * 3,
    )(part_lj, part_no)

    return (pot.reshape(NUM_GRAPHS), loss.reshape(NUM_GRAPHS),
            nov.reshape(NUM_GRAPHS))

# --- scband reference (transcript-rebuilt; emitter-appended) ---
"""Pipeline reference for scband-crystal-analyzer-28836410425675 (READ-ONLY COPY).

The authoritative reference and input builder live on the scoring server;
editing this copy changes nothing except your own understanding.
"""

import jax
jax.config.update("jax_enable_x64", True)
import jax.numpy as jnp
import numpy as np

N_NODES = 10000
N_EDGES = 640000
N_TYPES = 100
NUM_GRAPHS = 256
TURNOVER = 10.0


def setup_inputs(seed: int = 0) -> dict:
    key = jax.random.key(seed)
    k1, k2, k3, k4, k5 = jax.random.split(key, 5)
    pos = jax.random.normal(k1, (N_NODES, 3), dtype=jnp.float32)
    edge_index = jax.random.randint(k2, (2, N_EDGES), 0, N_NODES, dtype=jnp.int64)
    atom_types = jax.random.randint(k3, (N_NODES,), 0, N_TYPES, dtype=jnp.int64)
    mol_ids = jnp.sort(jax.random.randint(k4, (N_NODES,), 0, NUM_GRAPHS, dtype=jnp.int64))
    vdw_radii = jax.random.uniform(k5, (N_TYPES,), dtype=jnp.float32)
    return {
        "pos": pos,
        "edge_index": edge_index,
        "atom_types": atom_types,
        "mol_ids": mol_ids,
        "vdw_radii": vdw_radii,
    }


def reference(pos, edge_index, atom_types, mol_ids, vdw_radii):
    # Core of score_crystal_batch: intermolecular distance dict + vdw_analysis
    src = edge_index[0]
    dst = edge_index[1]
    # pairwise intermolecular distances (get_intermolecular_dists_dict)
    diff = pos[src] - pos[dst]
    d = jnp.sqrt(jnp.sum(diff * diff, axis=1) + 1e-12)
    d = jnp.clip(d, 0.05, None)
    # per-edge vdW radii sums (gather from element-indexed radii table)
    rv = vdw_radii[atom_types[src]] + vdw_radii[atom_types[dst]]
    # Lennard-Jones 12-6 potential per intermolecular contact
    r6 = (rv / d) ** 6
    lj = r6 * r6 - 2.0 * r6
    # hard-sphere overlaps
    overlap = jax.nn.relu(rv - d)
    normed_overlap = overlap / rv
    # reduce per crystal graph (edge -> graph via mol id of dst atom)
    gid = mol_ids[dst]
    vdw_potential = jax.ops.segment_sum(lj, gid, num_segments=NUM_GRAPHS)
    molwise_overlap = jax.ops.segment_sum(overlap, gid, num_segments=NUM_GRAPHS)
    molwise_normed_overlap = jax.ops.segment_sum(normed_overlap, gid, num_segments=NUM_GRAPHS)
    # turnover-damped loss: linear below turnover_potential, logarithmic above
    safe_pot = jnp.maximum(vdw_potential, TURNOVER)
    vdw_loss = jnp.where(
        vdw_potential > TURNOVER,
        TURNOVER * (1.0 + jnp.log(safe_pot / TURNOVER)),
        vdw_potential,
    )
    del molwise_overlap
    return (vdw_potential, vdw_loss, molwise_normed_overlap)

if __name__ == "__main__":
    import jax
    _d = setup_inputs()
    print(jax.jit(kernel)(*tuple(_d.values())))

</pallas_src>

<mosaic_0001>
#map = affine_map<(d0, d1) -> (0)>
#map1 = affine_map<(d0, d1) -> (0, 0)>
module attributes {stable_mosaic.version = 14 : i64} {
  func.func @_sc_body(%arg0: i32, %arg1: i32, %arg2: memref<640000xi32, #tpu.memory_space<hbm>>, %arg3: memref<640000xi32, #tpu.memory_space<hbm>>, %arg4: memref<10000xf32, #tpu.memory_space<hbm>>, %arg5: memref<10000xf32, #tpu.memory_space<hbm>>, %arg6: memref<10000xf32, #tpu.memory_space<hbm>>, %arg7: memref<10000xi32, #tpu.memory_space<hbm>>, %arg8: memref<10000xi32, #tpu.memory_space<hbm>>, %arg9: memref<112xf32, #tpu.memory_space<hbm>>, %arg10: memref<32x256xf32, #tpu.memory_space<hbm>>, %arg11: memref<32x256xf32, #tpu.memory_space<hbm>>, %arg12: memref<20000xi32, #tpu.memory_space<vmem>>, %arg13: memref<20000xi32, #tpu.memory_space<vmem>>, %arg14: memref<10000xf32, #tpu.memory_space<vmem>>, %arg15: memref<10000xf32, #tpu.memory_space<vmem>>, %arg16: memref<10000xf32, #tpu.memory_space<vmem>>, %arg17: memref<10000xi32, #tpu.memory_space<vmem>>, %arg18: memref<10000xi32, #tpu.memory_space<vmem>>, %arg19: memref<112xf32, #tpu.memory_space<vmem>>, %arg20: memref<10000xf32, #tpu.memory_space<vmem>>, %arg21: memref<4096xf32, #tpu.memory_space<vmem>>, %arg22: memref<4096xf32, #tpu.memory_space<vmem>>, %arg23: memref<256xf32, #tpu.memory_space<vmem>>, %arg24: memref<256xf32, #tpu.memory_space<vmem>>) attributes {dimension_semantics = [#tpu.dimension_semantics<core_parallel>, #tpu.dimension_semantics<subcore_parallel>], iteration_bounds = array<i64: 2, 16>, scalar_prefetch = 0 : i64, scratch_operands = 13 : i64, tpu.core_type = #tpu.core_type<sc_vector_subcore>, window_params = [{transform_indices = #map}, {transform_indices = #map}, {transform_indices = #map}, {transform_indices = #map}, {transform_indices = #map}, {transform_indices = #map}, {transform_indices = #map}, {transform_indices = #map}, {transform_indices = #map1}, {transform_indices = #map1}]} {
    %mul3A = arith.constant 2 : i32
    %mul3A_0 = arith.muli %arg1, %mul3A : i32
    %add3A = arith.addi %mul3A_0, %arg0 : i32
    %mul3A_1 = arith.constant 20000 : i32
    %mul3A_2 = arith.muli %add3A, %mul3A_1 : i32
    "tpu.region"() ({
      %run_scoped3A = tpu.sem_alloc : memref<!tpu.dma_semaphore, #tpu.memory_space<semaphore_mem>>
      %dma_start3A = tpu.memref_slice %arg2[%mul3A_2] : memref<640000xi32, #tpu.memory_space<hbm>> -> memref<20000xi32, #tpu.memory_space<hbm>>
      %dma_start3A_15 = tpu.memref_slice %arg2[%mul3A_2] : memref<640000xi32, #tpu.memory_space<hbm>> -> memref<20000xi32, #tpu.memory_space<hbm>>
      tpu.enqueue_dma source(%dma_start3A_15 : memref<20000xi32, #tpu.memory_space<hbm>>) target(%arg12 : memref<20000xi32, #tpu.memory_space<vmem>>) target_semaphore(%run_scoped3A : memref<!tpu.dma_semaphore, #tpu.memory_space<semaphore_mem>>)
      %dma_wait3A = tpu.memref_slice %arg2[%mul3A_2] : memref<640000xi32, #tpu.memory_space<hbm>> -> memref<20000xi32, #tpu.memory_space<hbm>>
      %dma_wait3A_16 = tpu.memref_slice %arg2[%mul3A_2] : memref<640000xi32, #tpu.memory_space<hbm>> -> memref<20000xi32, #tpu.memory_space<hbm>>
      tpu.wait_dma2 semaphore(%run_scoped3A : memref<!tpu.dma_semaphore, #tpu.memory_space<semaphore_mem>>) src(%dma_wait3A_16 : memref<20000xi32, #tpu.memory_space<hbm>>) dst(%arg12 : memref<20000xi32, #tpu.memory_space<vmem>>)
      tpu.yield
    }) : () -> ()
    "tpu.region"() ({
      %run_scoped3A = tpu.sem_alloc : memref<!tpu.dma_semaphore, #tpu.memory_space<semaphore_mem>>
      %dma_start3A = tpu.memref_slice %arg3[%mul3A_2] : memref<640000xi32, #tpu.memory_space<hbm>> -> memref<20000xi32, #tpu.memory_space<hbm>>
      %dma_start3A_15 = tpu.memref_slice %arg3[%mul3A_2] : memref<640000xi32, #tpu.memory_space<hbm>> -> memref<20000xi32, #tpu.memory_space<hbm>>
      tpu.enqueue_dma source(%dma_start3A_15 : memref<20000xi32, #tpu.memory_space<hbm>>) target(%arg13 : memref<20000xi32, #tpu.memory_space<vmem>>) target_semaphore(%run_scoped3A : memref<!tpu.dma_semaphore, #tpu.memory_space<semaphore_mem>>)
      %dma_wait3A = tpu.memref_slice %arg3[%mul3A_2] : memref<640000xi32, #tpu.memory_space<hbm>> -> memref<20000xi32, #tpu.memory_space<hbm>>
      %dma_wait3A_16 = tpu.memref_slice %arg3[%mul3A_2] : memref<640000xi32, #tpu.memory_space<hbm>> -> memref<20000xi32, #tpu.memory_space<hbm>>
      tpu.wait_dma2 semaphore(%run_scoped3A : memref<!tpu.dma_semaphore, #tpu.memory_space<semaphore_mem>>) src(%dma_wait3A_16 : memref<20000xi32, #tpu.memory_space<hbm>>) dst(%arg13 : memref<20000xi32, #tpu.memory_space<vmem>>)
      tpu.yield
    }) : () -> ()
    "tpu.region"() ({
      %run_scoped3A = tpu.sem_alloc : memref<!tpu.dma_semaphore, #tpu.memory_space<semaphore_mem>>
      tpu.enqueue_dma source(%arg4 : memref<10000xf32, #tpu.memory_space<hbm>>) target(%arg14 : memref<10000xf32, #tpu.memory_space<vmem>>) target_semaphore(%run_scoped3A : memref<!tpu.dma_semaphore, #tpu.memory_space<semaphore_mem>>)
      tpu.wait_dma2 semaphore(%run_scoped3A : memref<!tpu.dma_semaphore, #tpu.memory_space<semaphore_mem>>) src(%arg4 : memref<10000xf32, #tpu.memory_space<hbm>>) dst(%arg14 : memref<10000xf32, #tpu.memory_space<vmem>>)
      tpu.yield
    }) : () -> ()
    "tpu.region"() ({
      %run_scoped3A = tpu.sem_alloc : memref<!tpu.dma_semaphore, #tpu.memory_space<semaphore_mem>>
      tpu.enqueue_dma source(%arg5 : memref<10000xf32, #tpu.memory_space<hbm>>) target(%arg15 : memref<10000xf32, #tpu.memory_space<vmem>>) target_semaphore(%run_scoped3A : memref<!tpu.dma_semaphore, #tpu.memory_space<semaphore_mem>>)
      tpu.wait_dma2 semaphore(%run_scoped3A : memref<!tpu.dma_semaphore, #tpu.memory_space<semaphore_mem>>) src(%arg5 : memref<10000xf32, #tpu.memory_space<hbm>>) dst(%arg15 : memref<10000xf32, #tpu.memory_space<vmem>>)
      tpu.yield
    }) : () -> ()
    "tpu.region"() ({
      %run_scoped3A = tpu.sem_alloc : memref<!tpu.dma_semaphore, #tpu.memory_space<semaphore_mem>>
      tpu.enqueue_dma source(%arg6 : memref<10000xf32, #tpu.memory_space<hbm>>) target(%arg16 : memref<10000xf32, #tpu.memory_space<vmem>>) target_semaphore(%run_scoped3A : memref<!tpu.dma_semaphore, #tpu.memory_space<semaphore_mem>>)
      tpu.wait_dma2 semaphore(%run_scoped3A : memref<!tpu.dma_semaphore, #tpu.memory_space<semaphore_mem>>) src(%arg6 : memref<10000xf32, #tpu.memory_space<hbm>>) dst(%arg16 : memref<10000xf32, #tpu.memory_space<vmem>>)
      tpu.yield
    }) : () -> ()
    "tpu.region"() ({
      %run_scoped3A = tpu.sem_alloc : memref<!tpu.dma_semaphore, #tpu.memory_space<semaphore_mem>>
      tpu.enqueue_dma source(%arg7 : memref<10000xi32, #tpu.memory_space<hbm>>) target(%arg17 : memref<10000xi32, #tpu.memory_space<vmem>>) target_semaphore(%run_scoped3A : memref<!tpu.dma_semaphore, #tpu.memory_space<semaphore_mem>>)
      tpu.wait_dma2 semaphore(%run_scoped3A : memref<!tpu.dma_semaphore, #tpu.memory_space<semaphore_mem>>) src(%arg7 : memref<10000xi32, #tpu.memory_space<hbm>>) dst(%arg17 : memref<10000xi32, #tpu.memory_space<vmem>>)
      tpu.yield
    }) : () -> ()
    "tpu.region"() ({
      %run_scoped3A = tpu.sem_alloc : memref<!tpu.dma_semaphore, #tpu.memory_space<semaphore_mem>>
      tpu.enqueue_dma source(%arg8 : memref<10000xi32, #tpu.memory_space<hbm>>) target(%arg18 : memref<10000xi32, #tpu.memory_space<vmem>>) target_semaphore(%run_scoped3A : memref<!tpu.dma_semaphore, #tpu.memory_space<semaphore_mem>>)
      tpu.wait_dma2 semaphore(%run_scoped3A : memref<!tpu.dma_semaphore, #tpu.memory_space<semaphore_mem>>) src(%arg8 : memref<10000xi32, #tpu.memory_space<hbm>>) dst(%arg18 : memref<10000xi32, #tpu.memory_space<vmem>>)
      tpu.yield
    }) : () -> ()
    "tpu.region"() ({
      %run_scoped3A = tpu.sem_alloc : memref<!tpu.dma_semaphore, #tpu.memory_space<semaphore_mem>>
      tpu.enqueue_dma source(%arg9 : memref<112xf32, #tpu.memory_space<hbm>>) target(%arg19 : memref<112xf32, #tpu.memory_space<vmem>>) target_semaphore(%run_scoped3A : memref<!tpu.dma_semaphore, #tpu.memory_space<semaphore_mem>>)
      tpu.wait_dma2 semaphore(%run_scoped3A : memref<!tpu.dma_semaphore, #tpu.memory_space<semaphore_mem>>) src(%arg9 : memref<112xf32, #tpu.memory_space<hbm>>) dst(%arg19 : memref<112xf32, #tpu.memory_space<vmem>>)
      tpu.yield
    }) : () -> ()
    %broadcast_in_dim3A = arith.constant 0.000000e+00 : f32
    %broadcast_in_dim3A_3 = vector.broadcast %broadcast_in_dim3A : f32 to vector<16xf32>
    %parallel_loop3A = arith.constant 0 : i32
    %parallel_loop3A_4 = arith.constant 4096 : i32
    %parallel_loop3A_5 = arith.constant 16 : i32
    scf.for %parallel_loop3A_15 = %parallel_loop3A to %parallel_loop3A_4 step %parallel_loop3A_5  : i32 {
      %parallel_loop3A_16 = arith.index_cast %parallel_loop3A_15 : i32 to index
      %parallel_loop3A_17 = tpu.vector_load %arg21[%parallel_loop3A_16] {strides = array<i32>} : memref<4096xf32, #tpu.memory_space<vmem>>, vector<16xf32>,
      tpu.vector_store %arg21[%parallel_loop3A_16], %broadcast_in_dim3A_3 {strides = array<i32>} : memref<4096xf32, #tpu.memory_space<vmem>>, vector<16xf32>,
      %parallel_loop3A_18 = arith.index_cast %parallel_loop3A_15 : i32 to index
      %parallel_loop3A_19 = tpu.vector_load %arg22[%parallel_loop3A_18] {strides = array<i32>} : memref<4096xf32, #tpu.memory_space<vmem>>, vector<16xf32>,
      tpu.vector_store %arg22[%parallel_loop3A_18], %broadcast_in_dim3A_3 {strides = array<i32>} : memref<4096xf32, #tpu.memory_space<vmem>>, vector<16xf32>,
    } {sc.loop_unroll_factor = 8 : i64, sc.parallel_access}
    %parallel_loop3A_6 = arith.constant 0 : i32
    %parallel_loop3A_7 = arith.constant 10000 : i32
    %parallel_loop3A_8 = arith.constant 16 : i32
    scf.for %parallel_loop3A_15 = %parallel_loop3A_6 to %parallel_loop3A_7 step %parallel_loop3A_8  : i32 {
      %parallel_loop3A_16 = arith.index_cast %parallel_loop3A_15 : i32 to index
      %parallel_loop3A_17 = tpu.vector_load %arg17[%parallel_loop3A_16] {strides = array<i32>} : memref<10000xi32, #tpu.memory_space<vmem>>, vector<16xi32>,
      %parallel_loop3A_18 = tpu.vector_load_idx %arg19[%parallel_loop3A_17] : memref<112xf32, #tpu.memory_space<vmem>>[vector<16xi32>], vector<16xf32>,
      %parallel_loop3A_19 = arith.index_cast %parallel_loop3A_15 : i32 to index
      %parallel_loop3A_20 = tpu.vector_load %arg20[%parallel_loop3A_19] {strides = array<i32>} : memref<10000xf32, #tpu.memory_space<vmem>>, vector<16xf32>,
      tpu.vector_store %arg20[%parallel_loop3A_19], %parallel_loop3A_18 {strides = array<i32>} : memref<10000xf32, #tpu.memory_space<vmem>>, vector<16xf32>,
    } {sc.loop_unroll_factor = 4 : i64, sc.parallel_access}
    %iota3A = tpu.iota {dimensions = array<i32: 0>} : vector<16xi32>
    %mul3A_9 = arith.constant 256 : i32
    %mul3A_10 = vector.broadcast %mul3A_9 : i32 to vector<16xi32>
    %mul3A_11 = arith.muli %iota3A, %mul3A_10 : vector<16xi32>
    %parallel_loop3A_12 = arith.constant 0 : i32
    %parallel_loop3A_13 = arith.constant 256 : i32
    %parallel_loop3A_14 = arith.constant 16 : i32
    scf.for %parallel_loop3A_15 = %parallel_loop3A_12 to %parallel_loop3A_13 step %parallel_loop3A_14  : i32 {
      %parallel_loop3A_16 = arith.index_cast %parallel_loop3A_15 : i32 to index
      %parallel_loop3A_17 = tpu.vector_load %arg21[%parallel_loop3A_16] {strides = array<i32>} : memref<4096xf32, #tpu.memory_space<vmem>>, vector<16xf32>,
      %parallel_loop3A_18 = arith.index_cast %parallel_loop3A_15 : i32 to index
      %parallel_loop3A_19 = tpu.vector_load %arg22[%parallel_loop3A_18] {strides = array<i32>} : memref<4096xf32, #tpu.memory_space<vmem>>, vector<16xf32>,
      %parallel_loop3A_20 = arith.constant 256 : i32
      %parallel_loop3A_21 = arith.addi %parallel_loop3A_15, %parallel_loop3A_20 : i32
      %parallel_loop3A_22 = arith.index_cast %parallel_loop3A_21 : i32 to index
      %parallel_loop3A_23 = tpu.vector_load %arg21[%parallel_loop3A_22] {strides = array<i32>} : memref<4096xf32, #tpu.memory_space<vmem>>, vector<16xf32>,
      %parallel_loop3A_24 = arith.addf %parallel_loop3A_17, %parallel_loop3A_23 : vector<16xf32>
      %parallel_loop3A_25 = arith.index_cast %parallel_loop3A_21 : i32 to index
      %parallel_loop3A_26 = tpu.vector_load %arg22[%parallel_loop3A_25] {strides = array<i32>} : memref<4096xf32, #tpu.memory_space<vmem>>, vector<16xf32>,
      %parallel_loop3A_27 = arith.addf %parallel_loop3A_19, %parallel_loop3A_26 : vector<16xf32>
      %parallel_loop3A_28 = arith.constant 512 : i32
      %parallel_loop3A_29 = arith.addi %parallel_loop3A_15, %parallel_loop3A_28 : i32
      %parallel_loop3A_30 = arith.index_cast %parallel_loop3A_29 : i32 to index
      %parallel_loop3A_31 = tpu.vector_load %arg21[%parallel_loop3A_30] {strides = array<i32>} : memref<4096xf32, #tpu.memory_space<vmem>>, vector<16xf32>,
      %parallel_loop3A_32 = arith.addf %parallel_loop3A_24, %parallel_loop3A_31 : vector<16xf32>
      %parallel_loop3A_33 = arith.index_cast %parallel_loop3A_29 : i32 to index
      %parallel_loop3A_34 = tpu.vector_load %arg22[%parallel_loop3A_33] {strides = array<i32>} : memref<4096xf32, #tpu.memory_space<vmem>>, vector<16xf32>,
      %parallel_loop3A_35 = arith.addf %parallel_loop3A_27, %parallel_loop3A_34 : vector<16xf32>
      %parallel_loop3A_36 = arith.constant 768 : i32
      %parallel_loop3A_37 = arith.addi %parallel_loop3A_15, %parallel_loop3A_36 : i32
      %parallel_loop3A_38 = arith.index_cast %parallel_loop3A_37 : i32 to index
      %parallel_loop3A_39 = tpu.vector_load %arg21[%parallel_loop3A_38] {strides = array<i32>} : memref<4096xf32, #tpu.memory_space<vmem>>, vector<16xf32>,
      %parallel_loop3A_40 = arith.addf %parallel_loop3A_32, %parallel_loop3A_39 : vector<16xf32>
      %parallel_loop3A_41 = arith.index_cast %parallel_loop3A_37 : i32 to index
      %parallel_loop3A_42 = tpu.vector_load %arg22[%parallel_loop3A_41] {strides = array<i32>} : memref<4096xf32, #tpu.memory_space<vmem>>, vector<16xf32>,
      %parallel_loop3A_43 = arith.addf %parallel_loop3A_35, %parallel_loop3A_42 : vector<16xf32>
      %parallel_loop3A_44 = arith.constant 1024 : i32
      %parallel_loop3A_45 = arith.addi %parallel_loop3A_15, %parallel_loop3A_44 : i32
      %parallel_loop3A_46 = arith.index_cast %parallel_loop3A_45 : i32 to index
      %parallel_loop3A_47 = tpu.vector_load %arg21[%parallel_loop3A_46] {strides = array<i32>} : memref<4096xf32, #tpu.memory_space<vmem>>, vector<16xf32>,
      %parallel_loop3A_48 = arith.addf %parallel_loop3A_40, %parallel_loop3A_47 : vector<16xf32>
      %parallel_loop3A_49 = arith.index_cast %parallel_loop3A_45 : i32 to index
      %parallel_loop3A_50 = tpu.vector_load %arg22[%parallel_loop3A_49] {strides = array<i32>} : memref<4096xf32, #tpu.memory_space<vmem>>, vector<16xf32>,
      %parallel_loop3A_51 = arith.addf %parallel_loop3A_43, %parallel_loop3A_50 : vector<16xf32>
      %parallel_loop3A_52 = arith.constant 1280 : i32
      %parallel_loop3A_53 = arith.addi %parallel_loop3A_15, %parallel_loop3A_52 : i32
      %parallel_loop3A_54 = arith.index_cast %parallel_loop3A_53 : i32 to index
      %parallel_loop3A_55 = tpu.vector_load %arg21[%parallel_loop3A_54] {strides = array<i32>} : memref<4096xf32, #tpu.memory_space<vmem>>, vector<16xf32>,
      %parallel_loop3A_56 = arith.addf %parallel_loop3A_48, %parallel_loop3A_55 : vector<16xf32>
      %parallel_loop3A_57 = arith.index_cast %parallel_loop3A_53 : i32 to index
      %parallel_loop3A_58 = tpu.vector_load %arg22[%parallel_loop3A_57] {strides = array<i32>} : memref<4096xf32, #tpu.memory_space<vmem>>, vector<16xf32>,
      %parallel_loop3A_59 = arith.addf %parallel_loop3A_51, %parallel_loop3A_58 : vector<16xf32>
      %parallel_loop3A_60 = arith.constant 1536 : i32
      %parallel_loop3A_61 = arith.addi %parallel_loop3A_15, %parallel_loop3A_60 : i32
      %parallel_loop3A_62 = arith.index_cast %parallel_loop3A_61 : i32 to index
      %parallel_loop3A_63 = tpu.vector_load %arg21[%parallel_loop3A_62] {strides = array<i32>} : memref<4096xf32, #tpu.memory_space<vmem>>, vector<16xf32>,
      %parallel_loop3A_64 = arith.addf %parallel_loop3A_56, %parallel_loop3A_63 : vector<16xf32>
      %parallel_loop3A_65 = arith.index_cast %parallel_loop3A_61 : i32 to index
      %parallel_loop3A_66 = tpu.vector_load %arg22[%parallel_loop3A_65] {strides = array<i32>} : memref<4096xf32, #tpu.memory_space<vmem>>, vector<16xf32>,
      %parallel_loop3A_67 = arith.addf %parallel_loop3A_59, %parallel_loop3A_66 : vector<16xf32>
      %parallel_loop3A_68 = arith.constant 1792 : i32
      %parallel_loop3A_69 = arith.addi %parallel_loop3A_15, %parallel_loop3A_68 : i32
      %parallel_loop3A_70 = arith.index_cast %parallel_loop3A_69 : i32 to index
      %parallel_loop3A_71 = tpu.vector_load %arg21[%parallel_loop3A_70] {strides = array<i32>} : memref<4096xf32, #tpu.memory_space<vmem>>, vector<16xf32>,
      %parallel_loop3A_72 = arith.addf %parallel_loop3A_64, %parallel_loop3A_71 : vector<16xf32>
      %parallel_loop3A_73 = arith.index_cast %parallel_loop3A_69 : i32 to index
      %parallel_loop3A_74 = tpu.vector_load %arg22[%parallel_loop3A_73] {strides = array<i32>} : memref<4096xf32, #tpu.memory_space<vmem>>, vector<16xf32>,
      %parallel_loop3A_75 = arith.addf %parallel_loop3A_67, %parallel_loop3A_74 : vector<16xf32>
      %parallel_loop3A_76 = arith.constant 2048 : i32
      %parallel_loop3A_77 = arith.addi %parallel_loop3A_15, %parallel_loop3A_76 : i32
      %parallel_loop3A_78 = arith.index_cast %parallel_loop3A_77 : i32 to index
      %parallel_loop3A_79 = tpu.vector_load %arg21[%parallel_loop3A_78] {strides = array<i32>} : memref<4096xf32, #tpu.memory_space<vmem>>, vector<16xf32>,
      %parallel_loop3A_80 = arith.addf %parallel_loop3A_72, %parallel_loop3A_79 : vector<16xf32>
      %parallel_loop3A_81 = arith.index_cast %parallel_loop3A_77 : i32 to index
      %parallel_loop3A_82 = tpu.vector_load %arg22[%parallel_loop3A_81] {strides = array<i32>} : memref<4096xf32, #tpu.memory_space<vmem>>, vector<16xf32>,
      %parallel_loop3A_83 = arith.addf %parallel_loop3A_75, %parallel_loop3A_82 : vector<16xf32>
      %parallel_loop3A_84 = arith.constant 2304 : i32
      %parallel_loop3A_85 = arith.addi %parallel_loop3A_15, %parallel_loop3A_84 : i32
      %parallel_loop3A_86 = arith.index_cast %parallel_loop3A_85 : i32 to index
      %parallel_loop3A_87 = tpu.vector_load %arg21[%parallel_loop3A_86] {strides = array<i32>} : memref<4096xf32, #tpu.memory_space<vmem>>, vector<16xf32>,
      %parallel_loop3A_88 = arith.addf %parallel_loop3A_80, %parallel_loop3A_87 : vector<16xf32>
      %parallel_loop3A_89 = arith.index_cast %parallel_loop3A_85 : i32 to index
      %parallel_loop3A_90 = tpu.vector_load %arg22[%parallel_loop3A_89] {strides = array<i32>} : memref<4096xf32, #tpu.memory_space<vmem>>, vector<16xf32>,
      %parallel_loop3A_91 = arith.addf %parallel_loop3A_83, %parallel_loop3A_90 : vector<16xf32>
      %parallel_loop3A_92 = arith.constant 2560 : i32
      %parallel_loop3A_93 = arith.addi %parallel_loop3A_15, %parallel_loop3A_92 : i32
      %parallel_loop3A_94 = arith.index_cast %parallel_loop3A_93 : i32 to index
      %parallel_loop3A_95 = tpu.vector_load %arg21[%parallel_loop3A_94] {strides = array<i32>} : memref<4096xf32, #tpu.memory_space<vmem>>, vector<16xf32>,
      %parallel_loop3A_96 = arith.addf %parallel_loop3A_88, %parallel_loop3A_95 : vector<16xf32>
      %parallel_loop3A_97 = arith.index_cast %parallel_loop3A_93 : i32 to index
      %parallel_loop3A_98 = tpu.vector_load %arg22[%parallel_loop3A_97] {strides = array<i32>} : memref<4096xf32, #tpu.memory_space<vmem>>, vector<16xf32>,
      %parallel_loop3A_99 = arith.addf %parallel_loop3A_91, %parallel_loop3A_98 : vector<16xf32>
      %parallel_loop3A_100 = arith.constant 2816 : i32
      %parallel_loop3A_101 = arith.addi %parallel_loop3A_15, %parallel_loop3A_100 : i32
      %parallel_loop3A_102 = arith.index_cast %parallel_loop3A_101 : i32 to index
      %parallel_loop3A_103 = tpu.vector_load %arg21[%parallel_loop3A_102] {strides = array<i32>} : memref<4096xf32, #tpu.memory_space<vmem>>, vector<16xf32>,
      %parallel_loop3A_104 = arith.addf %parallel_loop3A_96, %parallel_loop3A_103 : vector<16xf32>
      %parallel_loop3A_105 = arith.index_cast %parallel_loop3A_101 : i32 to index
      %parallel_loop3A_106 = tpu.vector_load %arg22[%parallel_loop3A_105] {strides = array<i32>} : memref<4096xf32, #tpu.memory_space<vmem>>, vector<16xf32>,
      %parallel_loop3A_107 = arith.addf %parallel_loop3A_99, %parallel_loop3A_106 : vector<16xf32>
      %parallel_loop3A_108 = arith.constant 3072 : i32
      %parallel_loop3A_109 = arith.addi %parallel_loop3A_15, %parallel_loop3A_108 : i32
      %parallel_loop3A_110 = arith.index_cast %parallel_loop3A_109 : i32 to index
      %parallel_loop3A_111 = tpu.vector_load %arg21[%parallel_loop3A_110] {strides = array<i32>} : memref<4096xf32, #tpu.memory_space<vmem>>, vector<16xf32>,
      %parallel_loop3A_112 = arith.addf %parallel_loop3A_104, %parallel_loop3A_111 : vector<16xf32>
      %parallel_loop3A_113 = arith.index_cast %parallel_loop3A_109 : i32 to index
      %parallel_loop3A_114 = tpu.vector_load %arg22[%parallel_loop3A_113] {strides = array<i32>} : memref<4096xf32, #tpu.memory_space<vmem>>, vector<16xf32>,
      %parallel_loop3A_115 = arith.addf %parallel_loop3A_107, %parallel_loop3A_114 : vector<16xf32>
      %parallel_loop3A_116 = arith.constant 3328 : i32
      %parallel_loop3A_117 = arith.addi %parallel_loop3A_15, %parallel_loop3A_116 : i32
      %parallel_loop3A_118 = arith.index_cast %parallel_loop3A_117 : i32 to index
      %parallel_loop3A_119 = tpu.vector_load %arg21[%parallel_loop3A_118] {strides = array<i32>} : memref<4096xf32, #tpu.memory_space<vmem>>, vector<16xf32>,
      %parallel_loop3A_120 = arith.addf %parallel_loop3A_112, %parallel_loop3A_119 : vector<16xf32>
      %parallel_loop3A_121 = arith.index_cast %parallel_loop3A_117 : i32 to index
      %parallel_loop3A_122 = tpu.vector_load %arg22[%parallel_loop3A_121] {strides = array<i32>} : memref<4096xf32, #tpu.memory_space<vmem>>, vector<16xf32>,
      %parallel_loop3A_123 = arith.addf %parallel_loop3A_115, %parallel_loop3A_122 : vector<16xf32>
      %parallel_loop3A_124 = arith.constant 3584 : i32
      %parallel_loop3A_125 = arith.addi %parallel_loop3A_15, %parallel_loop3A_124 : i32
      %parallel_loop3A_126 = arith.index_cast %parallel_loop3A_125 : i32 to index
      %parallel_loop3A_127 = tpu.vector_load %arg21[%parallel_loop3A_126] {strides = array<i32>} : memref<4096xf32, #tpu.memory_space<vmem>>, vector<16xf32>,
      %parallel_loop3A_128 = arith.addf %parallel_loop3A_120, %parallel_loop3A_127 : vector<16xf32>
      %parallel_loop3A_129 = arith.index_cast %parallel_loop3A_125 : i32 to index
      %parallel_loop3A_130 = tpu.vector_load %arg22[%parallel_loop3A_129] {strides = array<i32>} : memref<4096xf32, #tpu.memory_space<vmem>>, vector<16xf32>,
      %parallel_loop3A_131 = arith.addf %parallel_loop3A_123, %parallel_loop3A_130 : vector<16xf32>
      %parallel_loop3A_132 = arith.constant 3840 : i32
      %parallel_loop3A_133 = arith.addi %parallel_loop3A_15, %parallel_loop3A_132 : i32
      %parallel_loop3A_134 = arith.index_cast %parallel_loop3A_133 : i32 to index
      %parallel_loop3A_135 = tpu.vector_load %arg21[%parallel_loop3A_134] {strides = array<i32>} : memref<4096xf32, #tpu.memory_space<vmem>>, vector<16xf32>,
      %parallel_loop3A_136 = arith.addf %parallel_loop3A_128, %parallel_loop3A_135 : vector<16xf32>
      %parallel_loop3A_137 = arith.index_cast %parallel_loop3A_133 : i32 to index
      %parallel_loop3A_138 = tpu.vector_load %arg22[%parallel_loop3A_137] {strides = array<i32>} : memref<4096xf32, #tpu.memory_space<vmem>>, vector<16xf32>,
      %parallel_loop3A_139 = arith.addf %parallel_loop3A_131, %parallel_loop3A_138 : vector<16xf32>
      %parallel_loop3A_140 = arith.index_cast %parallel_loop3A_15 : i32 to index
      %parallel_loop3A_141 = tpu.vector_load %arg23[%parallel_loop3A_140] {strides = array<i32>} : memref<256xf32, #tpu.memory_space<vmem>>, vector<16xf32>,
      tpu.vector_store %arg23[%parallel_loop3A_140], %parallel_loop3A_136 {strides = array<i32>} : memref<256xf32, #tpu.memory_space<vmem>>, vector<16xf32>,
      %parallel_loop3A_142 = arith.index_cast %parallel_loop3A_15 : i32 to index
      %parallel_loop3A_143 = tpu.vector_load %arg24[%parallel_loop3A_142] {strides = array<i32>} : memref<256xf32, #tpu.memory_space<vmem>>, vector<16xf32>,
      tpu.vector_store %arg24[%parallel_loop3A_142], %parallel_loop3A_139 {strides = array<i32>} : memref<256xf32, #tpu.memory_space<vmem>>, vector<16xf32>,
    } {sc.loop_unroll_factor = 4 : i64, sc.parallel_access}
    "tpu.region"() ({
      %run_scoped3A = tpu.sem_alloc : memref<!tpu.dma_semaphore, #tpu.memory_space<semaphore_mem>>
      %dma_start3A = arith.constant 0 : i32
      %dma_start3A_15 = tpu.memref_slice %arg10[%add3A, %dma_start3A] : memref<32x256xf32, #tpu.memory_space<hbm>> -> memref<1x256xf32, #tpu.memory_space<hbm>>
      %dma_start3A_16 = tpu.memref_squeeze %dma_start3A_15 : memref<1x256xf32, #tpu.memory_space<hbm>> -> memref<256xf32, #tpu.memory_space<hbm>>
      %dma_start3A_17 = arith.constant 0 : i32
      %dma_start3A_18 = tpu.memref_slice %arg10[%add3A, %dma_start3A_17] : memref<32x256xf32, #tpu.memory_space<hbm>> -> memref<1x256xf32, #tpu.memory_space<hbm>>
      %dma_start3A_19 = tpu.memref_squeeze %dma_start3A_18 : memref<1x256xf32, #tpu.memory_space<hbm>> -> memref<256xf32, #tpu.memory_space<hbm>>
      tpu.enqueue_dma source(%arg23 : memref<256xf32, #tpu.memory_space<vmem>>) target(%dma_start3A_19 : memref<256xf32, #tpu.memory_space<hbm>>) target_semaphore(%run_scoped3A : memref<!tpu.dma_semaphore, #tpu.memory_space<semaphore_mem>>)
      %dma_wait3A = arith.constant 0 : i32
      %dma_wait3A_20 = tpu.memref_slice %arg10[%add3A, %dma_wait3A] : memref<32x256xf32, #tpu.memory_space<hbm>> -> memref<1x256xf32, #tpu.memory_space<hbm>>
      %dma_wait3A_21 = tpu.memref_squeeze %dma_wait3A_20 : memref<1x256xf32, #tpu.memory_space<hbm>> -> memref<256xf32, #tpu.memory_space<hbm>>
      %dma_wait3A_22 = arith.constant 0 : i32
      %dma_wait3A_23 = tpu.memref_slice %arg10[%add3A, %dma_wait3A_22] : memref<32x256xf32, #tpu.memory_space<hbm>> -> memref<1x256xf32, #tpu.memory_space<hbm>>
      %dma_wait3A_24 = tpu.memref_squeeze %dma_wait3A_23 : memref<1x256xf32, #tpu.memory_space<hbm>> -> memref<256xf32, #tpu.memory_space<hbm>>
      tpu.wait_dma2 semaphore(%run_scoped3A : memref<!tpu.dma_semaphore, #tpu.memory_space<semaphore_mem>>) src(%arg23 : memref<256xf32, #tpu.memory_space<vmem>>) dst(%dma_wait3A_24 : memref<256xf32, #tpu.memory_space<hbm>>)
      tpu.yield
    }) : () -> ()
    "tpu.region"() ({
      %run_scoped3A = tpu.sem_alloc : memref<!tpu.dma_semaphore, #tpu.memory_space<semaphore_mem>>
      %dma_start3A = arith.constant 0 : i32
      %dma_start3A_15 = tpu.memref_slice %arg11[%add3A, %dma_start3A] : memref<32x256xf32, #tpu.memory_space<hbm>> -> memref<1x256xf32, #tpu.memory_space<hbm>>
      %dma_start3A_16 = tpu.memref_squeeze %dma_start3A_15 : memref<1x256xf32, #tpu.memory_space<hbm>> -> memref<256xf32, #tpu.memory_space<hbm>>
      %dma_start3A_17 = arith.constant 0 : i32
      %dma_start3A_18 = tpu.memref_slice %arg11[%add3A, %dma_start3A_17] : memref<32x256xf32, #tpu.memory_space<hbm>> -> memref<1x256xf32, #tpu.memory_space<hbm>>
      %dma_start3A_19 = tpu.memref_squeeze %dma_start3A_18 : memref<1x256xf32, #tpu.memory_space<hbm>> -> memref<256xf32, #tpu.memory_space<hbm>>
      tpu.enqueue_dma source(%arg24 : memref<256xf32, #tpu.memory_space<vmem>>) target(%dma_start3A_19 : memref<256xf32, #tpu.memory_space<hbm>>) target_semaphore(%run_scoped3A : memref<!tpu.dma_semaphore, #tpu.memory_space<semaphore_mem>>)
      %dma_wait3A = arith.constant 0 : i32
      %dma_wait3A_20 = tpu.memref_slice %arg11[%add3A, %dma_wait3A] : memref<32x256xf32, #tpu.memory_space<hbm>> -> memref<1x256xf32, #tpu.memory_space<hbm>>
      %dma_wait3A_21 = tpu.memref_squeeze %dma_wait3A_20 : memref<1x256xf32, #tpu.memory_space<hbm>> -> memref<256xf32, #tpu.memory_space<hbm>>
      %dma_wait3A_22 = arith.constant 0 : i32
      %dma_wait3A_23 = tpu.memref_slice %arg11[%add3A, %dma_wait3A_22] : memref<32x256xf32, #tpu.memory_space<hbm>> -> memref<1x256xf32, #tpu.memory_space<hbm>>
      %dma_wait3A_24 = tpu.memref_squeeze %dma_wait3A_23 : memref<1x256xf32, #tpu.memory_space<hbm>> -> memref<256xf32, #tpu.memory_space<hbm>>
      tpu.wait_dma2 semaphore(%run_scoped3A : memref<!tpu.dma_semaphore, #tpu.memory_space<semaphore_mem>>) src(%arg24 : memref<256xf32, #tpu.memory_space<vmem>>) dst(%dma_wait3A_24 : memref<256xf32, #tpu.memory_space<hbm>>)
      tpu.yield
    }) : () -> ()
    return
  }
}

module attributes {stable_mosaic.version = 14 : i64} {
  func.func @_tc_body(%arg0: memref<32x256xf32, #tpu.memory_space<vmem>>, %arg1: memref<32x256xf32, #tpu.memory_space<vmem>>, %arg2: memref<1x256xf32, #tpu.memory_space<vmem>>, %arg3: memref<1x256xf32, #tpu.memory_space<vmem>>, %arg4: memref<1x256xf32, #tpu.memory_space<vmem>>) attributes {dimension_semantics = [], scalar_prefetch = 0 : i64, scratch_operands = 0 : i64, tpu.core_type = #tpu.core_type<tc>} {
    %get3A = arith.constant 0 : index
    %get3A_0 = arith.constant 0 : index
    %get3A_1 = vector.load %arg0[%get3A, %get3A_0] : memref<32x256xf32, #tpu.memory_space<vmem>>, vector<32x256xf32>
    %reduce_sum3A = arith.constant dense<0.000000e+00> : vector<256xf32>
    %reduce_sum3A_2 = vector.multi_reduction <add>, %get3A_1, %reduce_sum3A [0] : vector<32x256xf32> to vector<256xf32>
    %broadcast_in_dim3A = vector.shape_cast %reduce_sum3A_2 : vector<256xf32> to vector<1x256xf32>
    %get3A_3 = arith.constant 0 : index
    %get3A_4 = arith.constant 0 : index
    %get3A_5 = vector.load %arg1[%get3A_3, %get3A_4] : memref<32x256xf32, #tpu.memory_space<vmem>>, vector<32x256xf32>
    %reduce_sum3A_6 = arith.constant dense<0.000000e+00> : vector<256xf32>
    %reduce_sum3A_7 = vector.multi_reduction <add>, %get3A_5, %reduce_sum3A_6 [0] : vector<32x256xf32> to vector<256xf32>
    %broadcast_in_dim3A_8 = vector.shape_cast %reduce_sum3A_7 : vector<256xf32> to vector<1x256xf32>
    %max3A = arith.constant 1.000000e+01 : f32
    %max3A_9 = vector.broadcast %max3A : f32 to vector<1x256xf32>
    %max3A_10 = arith.maximumf %broadcast_in_dim3A, %max3A_9 : vector<1x256xf32>
    %gt3A = arith.constant 1.000000e+01 : f32
    %gt3A_11 = vector.broadcast %gt3A : f32 to vector<1x256xf32>
    %gt3A_12 = arith.cmpf ogt, %broadcast_in_dim3A, %gt3A_11 : vector<1x256xf32>
    %div3A = arith.constant 1.000000e+01 : f32
    %div3A_13 = vector.broadcast %div3A : f32 to vector<1x256xf32>
    %div3A_14 = arith.divf %max3A_10, %div3A_13 : vector<1x256xf32>
    %log3A = math.log %div3A_14 : vector<1x256xf32>
    %add3A = arith.constant 1.000000e+00 : f32
    %add3A_15 = vector.broadcast %add3A : f32 to vector<1x256xf32>
    %add3A_16 = arith.addf %add3A_15, %log3A : vector<1x256xf32>
    %mul3A = arith.constant 1.000000e+01 : f32
    %mul3A_17 = vector.broadcast %mul3A : f32 to vector<1x256xf32>
    %mul3A_18 = arith.mulf %mul3A_17, %add3A_16 : vector<1x256xf32>
    %select_n3A = arith.select %gt3A_12, %mul3A_18, %broadcast_in_dim3A : vector<1x256xi1>, vector<1x256xf32>
    %swap3A = arith.constant 0 : index
    %swap3A_19 = arith.constant 0 : index
    %swap3A_20 = vector.load %arg2[%swap3A, %swap3A_19] : memref<1x256xf32, #tpu.memory_space<vmem>>, vector<1x256xf32>
    tpu.vector_store %arg2[%swap3A, %swap3A_19], %broadcast_in_dim3A {strides = array<i32>} : memref<1x256xf32, #tpu.memory_space<vmem>>, vector<1x256xf32>,
    %swap3A_21 = arith.constant 0 : index
    %swap3A_22 = arith.constant 0 : index
    %swap3A_23 = vector.load %arg3[%swap3A_21, %swap3A_22] : memref<1x256xf32, #tpu.memory_space<vmem>>, vector<1x256xf32>
    tpu.vector_store %arg3[%swap3A_21, %swap3A_22], %select_n3A {strides = array<i32>} : memref<1x256xf32, #tpu.memory_space<vmem>>, vector<1x256xf32>,
    %swap3A_24 = arith.constant 0 : index
    %swap3A_25 = arith.constant 0 : index
    %swap3A_26 = vector.load %arg4[%swap3A_24, %swap3A_25] : memref<1x256xf32, #tpu.memory_space<vmem>>, vector<1x256xf32>
    tpu.vector_store %arg4[%swap3A_24, %swap3A_25], %broadcast_in_dim3A_8 {strides = array<i32>} : memref<1x256xf32, #tpu.memory_space<vmem>>, vector<1x256xf32>,
    return
  }
}

</mosaic_0001>

<sc_bundles>
// kernel: kernel.4.cloned.1.call-start
scs
__scs_entry_jumppad:
0x0: {  	(pc) =	sbr.rel $0x88, $3  }
0x1: {  	(tag) =	ssettag $0x0;
	lr =	simm.s32 $0x1  }
0x2: {  	[smem:$0x3F9C] =	sst lr;
	_ =	strace $0xD0000000  }
0x3: {  	_ = 	snop  }
0x4: {  	_ = 	snop  }
0x5: {  	_ = 	snop  }
0x6: {  	_ = 	snop  }
0x7: {  	_ = 	snop  }
__scs_overlays_trampoline_lowered:
0x8: {  	[smem:$0x3FAB] =	sst s0  }
0x9: {  	[smem:$0x3FAC] =	sst s1  }
0xa: {  	[smem:$0x3FAD] =	sst s2  }
0xb: {  	[smem:$0x3FAE] =	sst s3  }
0xc: {  	[smem:$0x3FAF] =	sst s4  }
0xd: {  	[smem:$0x3FB0] =	sst s5  }
0xe: {  	[smem:$0x3FB1] =	sst s6  }
0xf: {  	[smem:$0x3FB2] =	sst s7  }
0x10: {  	[smem:$0x3FB3] =	sst s8  }
0x11: {  	[smem:$0x3FB4] =	sst s9;
	s0 =	simm.s32 @!p0 $0x0  }
0x12: {  	s1 =	sld [smem:$0x3F9A];
	s0 =	simm.s32 @p0 $0x1  }
0x13: {  	[smem:$0x3FB5] =	sst s0;
	s0 =	simm.s32 @!p1 $0x0  }
0x14: {  	s2 =	sld [smem:$0x3F99];
	s0 =	simm.s32 @p1 $0x1  }
0x15: {  	[smem:$0x3FB6] =	sst s0;
	s0 =	simm.s32 @!p2 $0x0  }
0x16: {  	s3 =	sld [smem:$0x3FDB];
	s0 =	simm.s32 @p2 $0x1  }
0x17: {  	s4 =	simm.s32 $0x1BF5;
	[smem:$0x3FB8] =	sst s0  }
0x18: {  	s0 =	sld [smem:$0x3F9B];
	_ =	swait.ge [sflag:s4], $0x0  }
0x19: {  	s7 =	sld [smem:$0x3F9C]  }
0x1a: {  	s8 =	sadd.s32 $0xFFFFE003, lr  }
0x1b: {  	s9 =	sadd.s32 $0xFFFFFEF7, lr;
	s5 =	simm.s32 $0xFFFFFFFF;
	p2 =	slt.u32 s8, $0xFFFFF086  }
0x1c: {  	p1 =	slt.u32 s9, $0xF7A;
	s5 =	simm.s32 @!p2 $0x0  }
0x1d: {  	s5 =	simm.s32 @p1 $0x1;
	p0 =	seq.s32 s7, s2  }
0x1e: {  	s7 =	smul.u32 @!p0 $0xF7A, s2;
	p2 =	seq.s32 @!p0 s5, $0x0  }
0x1f: {  	s9 =	smul.u32 $0xF7A, s1;
	s8 =	simm.s32 @!p0 $0x1BF5;
	p2 =	por !p2, p0  }
0x20: {  	[sflag:s8] =	ssyncset.s32 @!p0 $0xFFFFF086;
	s6 =	sadd.s32 @!p0 s3, s7;
	s7 =	simm.s32 @!p0 $0x108  }
0x21: {  	s3 =	sadd.s32 s3, s9;
	s6 =	sadd.s32 @!p0 $0x88, s6;
	s7 =	simm.s32 @p2 $0x1082  }
0x22: {  	[simem:s7], [sflag:s8] =	dma.local @!p0 [hbm:s6], $0xF7A  }
0x23: {  	s9 =	sor.u32 $0xD0000000, s2;
	s6 =	simm.s32 $0x108;
	_ =	swait.ge @!p0 [sflag:s8], $0x0  }
0x24: {  	s3 =	sadd.s32 $0x88, s3;
	s6 =	simm.s32 @!p1 $0x1082;
	[sflag:s4] =	ssyncset.s32 $0xFFFFF086  }
0x25: {  	[simem:s6], [sflag:s4] =	dma.local [hbm:s3], $0xF7A  }
0x26: {  	[smem:$0x3F9C] =	sst s1;
	(tag) =	ssettag s2;
	_ =	strace s9  }
0x27: {  	s1 =	sld [smem:$0x3FAC]  }
0x28: {  	s2 =	sld [smem:$0x3FAD]  }
0x29: {  	s4 =	sld [smem:$0x3FAF]  }
0x2a: {  	p0 =	seq.s32 s5, $0x0;
	s5 =	sld [smem:$0x3FB0]  }
0x2b: {  	s6 =	sld [smem:$0x3FB1]  }
0x2c: {  	s7 =	sld [smem:$0x3FB2]  }
0x2d: {  	s3 =	simm.s32 $0x108;
	s8 =	sld [smem:$0x3FB3]  }
0x2e: {  	s3 =	simm.s32 @!p0 $0x1082;
	s9 =	sld [smem:$0x3FB4]  }
0x2f: {  	lr =	sadd.s32 s0, s3;
	s0 =	sld [smem:$0x3FAB]  }
0x30: {  	s3 =	sld [smem:$0x3FAE]  }
0x31: {  	[smem:$0x3FB7] =	sst s10  }
0x32: {  	s10 =	sld [smem:$0x3FB5];
	_ =	sdelay $0x3  }
0x33: {  	p0 =	seq.s32 s10, $0x1;
	s10 =	sld [smem:$0x3FB7];
	_ =	sdelay $0x3  }
0x34: {  	[smem:$0x3FB7] =	sst s10  }
0x35: {  	s10 =	sld [smem:$0x3FB6];
	_ =	sdelay $0x3  }
0x36: {  	p1 =	seq.s32 s10, $0x1;
	s10 =	sld [smem:$0x3FB7];
	_ =	sdelay $0x3  }
0x37: {  	[smem:$0x3FB7] =	sst s10  }
0x38: {  	s10 =	sld [smem:$0x3FB8]  }
0x39: {  	_ = 	snop;
	(pc) =	sbr.ind lr, $3  }
0x3a: {  	_ = 	snop  }
0x3b: {  	_ = 	snop  }
0x3c: {  	p2 =	seq.s32 s10, $0x1;
	s10 =	sld [smem:$0x3FB7]  }
0x3d: {  	_ =	shalt  }
0x3e: {  	_ =	shalt  }
0x3f: {  	_ =	shalt  }
0x40: {  	_ =	shalt  }
0x41: {  	_ =	shalt  }
0x42: {  	_ =	shalt  }
0x43: {  	_ =	shalt  }
0x44: {  	_ =	shalt  }
0x45: {  	_ =	shalt  }
0x46: {  	_ =	shalt  }
0x47: {  	_ =	shalt  }
0x48: {  	_ =	shalt  }
0x49: {  	_ =	shalt  }
0x4a: {  	_ =	shalt  }
0x4b: {  	_ =	shalt  }
0x4c: {  	_ =	shalt  }
0x4d: {  	_ =	shalt  }
0x4e: {  	_ =	shalt  }
0x4f: {  	_ =	shalt  }
0x50: {  	_ =	shalt  }
0x51: {  	_ =	shalt  }
0x52: {  	_ =	shalt  }
0x53: {  	_ =	shalt  }
0x54: {  	_ =	shalt  }
0x55: {  	_ =	shalt  }
0x56: {  	_ =	shalt  }
0x57: {  	_ =	shalt  }
0x58: {  	_ =	shalt  }
0x59: {  	_ =	shalt  }
0x5a: {  	_ =	shalt  }
0x5b: {  	_ =	shalt  }
0x5c: {  	_ =	shalt  }
0x5d: {  	_ =	shalt  }
0x5e: {  	_ =	shalt  }
0x5f: {  	_ =	shalt  }
0x60: {  	_ =	shalt  }
0x61: {  	_ =	shalt  }
0x62: {  	_ =	shalt  }
0x63: {  	_ =	shalt  }
0x64: {  	_ =	shalt  }
0x65: {  	_ =	shalt  }
0x66: {  	_ =	shalt  }
0x67: {  	_ =	shalt  }
0x68: {  	_ =	shalt  }
0x69: {  	_ =	shalt  }
0x6a: {  	_ =	shalt  }
0x6b: {  	_ =	shalt  }
0x6c: {  	_ =	shalt  }
0x6d: {  	_ =	shalt  }
0x6e: {  	_ =	shalt  }
0x6f: {  	_ =	shalt  }
0x70: {  	_ =	shalt  }
0x71: {  	_ =	shalt  }
0x72: {  	_ =	shalt  }
0x73: {  	_ =	shalt  }
0x74: {  	_ =	shalt  }
0x75: {  	_ =	shalt  }
0x76: {  	_ =	shalt  }
0x77: {  	_ =	shalt  }
0x78: {  	_ =	shalt  }
0x79: {  	_ =	shalt  }
0x7a: {  	_ =	shalt  }
0x7b: {  	_ =	shalt  }
0x7c: {  	_ =	shalt  }
0x7d: {  	_ =	shalt  }
0x7e: {  	_ =	shalt  }
0x7f: {  	_ =	shalt  }
0x80: {  	_ =	shalt  }
0x81: {  	_ =	shalt  }
0x82: {  	_ =	shalt  }
0x83: {  	_ =	shalt  }
0x84: {  	_ =	shalt  }
0x85: {  	_ =	shalt  }
0x86: {  	_ =	shalt  }
0x87: {  	_ =	shalt  }
.Lfunc_end0:
.L_simem_size_0:
called_computation_lowered:
.L_overlay_start_0:
0x88: {  	s2 =	sld [smem:$0x3FD9]  }
0x89: {  	s3 =	sld [smem:$0x3FFE];
	_ =	sdelay $0x1  }
0x8a: {  	s1 =	srdreg.scid  }
0x8b: {  	s0 =	sand.u32 $0x1, s1  }
0x8c: {  	s14 =	sshll.u32 s0, $0xA;
	s2 =	sadd.s32 s3, s2  }
0x8d: {  	s2 =	sadd.s32 s2, s14  }
0x8e: {  	[smem:$0x3FC3] =	sst s2  }
0x8f: {  	_ = 	snop  }
0x90: {  	s2 =	sld [smem:$0x3FD0];
	_ =	sdelay $0x2  }
0x91: {  	s15 =	simm.s32 $0xA;
	s4 =	simm.s32 $0x10  }
0x92: {  	[smem:s4], [sflag:s15] =	dma.local [hbm:s2], $0x1  }
0x93: {  	_ =	swait.eq [sflag:s15], $0x1  }
0x94: {  	[sflag:s15] =	ssyncset.done $0x0  }
0x95: {  	[sflag:s15] =	ssyncadd.s32 $0xFFFFFFFF  }
0x96: {  	s16 =	sld [smem:$0x12];
	(tm) =	ssettm $0x1  }
0x97: {  	s17 =	sld [smem:$0x3FFB];
	_ =	sdelay $0x3  }
0x98: {  	_ =	strace s17  }
0x99: {  	s3 =	sld [smem:$0x3FFC];
	_ =	sdelay $0x3  }
0x9a: {  	_ =	strace s3  }
0x9b: {  	s3 =	sld [smem:$0x3FFD];
	_ =	sdelay $0x3  }
0x9c: {  	_ =	strace s3  }
0x9d: {  	_ =	strace $0x8FFFFFFF  }
0x9e: {  	s18 =	sld [smem:$0x3FDB];
	_ =	sdelay $0x1  }
0x9f: {  	s19 =	simm.s32 $_scs_section_size  }
0xa0: {  	s5 =	simm.s32 $_size__tile_overlayer_lowered;
	s6 =	simm.s32 $_tile_overlayer_lowered  }
0xa1: {  	s22 =	simm.s32 $0x1BFF;
	s21 =	sshll.u32 s6, $0x1;
	s3 =	sadd.s32 s19, s18  }
0xa2: {  	s7 =	simm.s32 $0x0;
	s20 =	sshll.u32 s5, $0x1;
	s5 =	sadd.s32 s21, s3  }
0xa3: {  	[timem:s7], [sflag:s22] =	dma.local [hbm:s5], s20  }
0xa4: {  	_ =	swait.ge [sflag:s22], s20  }
0xa5: {  	s4 =	ssub.s32 $0x0, s20;
	[sflag:s22] =	ssyncset.done $0x0  }
0xa6: {  	[sflag:s22] =	ssyncadd.s32 s4;
	_ =	sdelay $0x1  }
0xa7: {  	s23 =	simm.s32 $0x1B8B  }
0xa8: {  	_ =	swait.ge [sflag:s23], $0x1  }
0xa9: {  	[sflag:s23] =	ssyncset.done $0x0  }
0xaa: {  	s25 =	simm.s32 $0x1B8E;
	s24 =	sld [smem:$0x3FFE];
	[sflag:s23] =	ssyncadd.s32 $0xFFFFFFFF  }
0xab: {  	s26 =	simm.s32 $execute0_lowered;
	[smem:$0x3FD2] =	sst s25  }
0xac: {  	s5 =	sshll.u32 s26, $0x1;
	_ =	strace $0x80000046;
	[dreg:$0x1] =	wrdreg $0xFFFFFFFF  }
0xad: {  	s28 =	simm.s32 $_size_execute0_lowered;
	s3 =	sadd.s32 s3, s5;
	[dreg:$0x0] =	wrdreg $0x0  }
0xae: {  	s5 =	sshll.u32 s28, $0x1;
	[dreg:$0x2] =	wrdreg s3  }
0xaf: {  	[dreg:$0x3] =	wrdreg s5  }
0xb0: {  	[dreg:$0x4] =	wrdreg $0xC0  }
0xb1: {  	_ =	task [dreg:s7], $0x5FFFF  }
0xb2: {  	[dreg:$0x1] =	wrdreg $0xFFFFFFFF  }
0xb3: {  	[dreg:$0x0] =	wrdreg $0x60  }
0xb4: {  	[dreg:$0x2] =	wrdreg s24  }
0xb5: {  	[dreg:$0x3] =	wrdreg s16  }
0xb6: {  	[dreg:$0x4] =	wrdreg $0x9  }
0xb7: {  	_ =	task.clear_ibuf [dreg:s7], $0x5FFFF;
	_ =	strace $0x90000046  }
0xb8: {  	s29 =	simm.s32 $0x9;
	_ =	strace $0x80000048  }
0xb9: {  	_ =	swait.ge [sflag:s29], $0x1  }
0xba: {  	[sflag:s29] =	ssyncadd.s32 $0xFFFFFFFF  }
0xbb: {  	_ =	strace $0x90000048  }
0xbc: {  	_ =	sfence  }
0xbd: {  	s30 =	sld [smem:$0x0];
	_ =	sdelay $0x2  }
0xbe: {  	s31 =	sshll.u32 s1, $0xD;
	s1 =	sshrl.u32 s1, $0x2  }
0xbf: {  	s3 =	sand.u32 $0x4000, s31;
	s1 =	sadd.s32 s1, s30  }
0xc0: {  	s0 =	sor.u32 s3, s0;
	s1 =	sshll.u32 s1, $0x11  }
0xc1: {  	s0 =	sor.u32 s1, s0  }
0xc2: {  	s0 =	sadd.s32 $0x8F2B, s0  }
0xc3: {  	[sflag:s0] =	ssyncadd.remote.s32 $0x1  }
0xc4: {  	_ =	sfence.sel $0xFFFF  }
0xc5: {  	[dreg:$0x0] =	wrdreg $0xFFFFFFFF;
	(pc) =	sbr.abs _section_cstart, $3  }
0xc6: {  	[dreg:$0x1] =	wrdreg $0xFFFFFFFF  }
0xc7: {  	_ =	task.clear_ibuf [dreg:s7], $0x2FFFF;
	_ =	strace $0x9FFFFFFF  }
0xc8: {  	(tm) =	ssettm $0x7FFFFFFF  }
0xc9: {  	_ =	shalt  }
tec
execute0_lowered:
.L_overlay_start_1:
0x0: {  	(tag) =	ssettag $0x1  }
0x1: {  	s1 =	rddreg [dreg:$0x0];
	s3 =	srdreg.scid  }
0x2: {  	s0 =	stileid.u32;
	s2 =	rddreg [dreg:$0x1];
	s14 =	simm.s32 $0x1  }
0x3: {  	s15 =	simm.s32 $0x4E80;
	s16 =	simm.s32 $0x9D00;
	s17 =	simm.s32 $0xC480  }
0x4: {  	s18 =	simm.s32 $0xEC00;
	s19 =	simm.s32 $0x11380;
	s20 =	simm.s32 $0x13B00  }
0x5: {  	s21 =	simm.s32 $0x16280;
	s22 =	simm.s32 $0x80;
	s23 =	simm.s32 $0x400  }
0x6: {  	s24 =	simm.s32 $0x1AA80;
	s25 =	simm.s32 $0x1AB80;
	s26 =	simm.s32 $0x0  }
0x7: {  	s7 =	sand.u32 $0x1, s3;
	s4 =	sshll.u32 s0, $0x1;
	s3 =	simm.s32 $0x0  }
0x8: {  	s5 =	sadd.s32 $0x28000, s1;
	s6 =	sadd.s32 $0x27A00, s1;
	s9 =	sshll.u32 s0, $0x6  }
0x9: {  	s8 =	sor.u32 s7, s4;
	[smem:$0x7FF] =	sst s3;
	s9 =	sand.u32 $0x300, s9  }
0xa: {  	s11 =	ssub.s32 $0x2, s7;
	s7 =	sadd.s32 $0x28C00, s1;
	s4 =	smul.u32 $0x9C4, s8  }
0xb: {  	_ =	strace $0x80000047;
	s8 =	sshll.u32 s8, $0x4;
	s12 =	sshrl.u32 s11, $0x1  }
0xc: {  	s8 =	sand.u32 $0x70, s8;
	s13 =	ssub.s32 s11, s12;
	s10 =	sadd.s32 s4, s1  }
0xd: {  	s4 =	sadd.s32 $0x28600, s1;
	s9 =	sor.u32 s9, s8;
	s8 =	sadd.s32 $0x29200, s1  }
0xe: {  	s13 =	smax.u32 s13, $0x1;
	s1 =	sadd.s32 s9, s1;
	s9 =	sadd.s32 $0x14000, s10  }
0xf: {  	v0 =	vimm.f32 $0.0e+00;
	s10 =	sadd.s32 $0x600, s10;
	s11 =	sadd.s32 $0x29800, s1;
	s12 =	sadd.s32 $0x29C00, s1  }
.LBB2_1:
0x10: {  	[tilespmem:s3], [sflag:$0x1] =	stream.linear.gather [hbm4b:s9+s3], $0x4E20, $0x38;
	[tilespmem:$0x1AC80] =	vst v63  }
0x11: {  	_ =	swait.ge [sflag:s14], $0x4E20  }
0x12: {  	[sflag:s14] =	ssyncset.done $0x0  }
0x13: {  	[sflag:s14] =	ssyncadd.s32 $0xFFFFB1E0  }
0x14: {  	[tilespmem:s15], [sflag:$0x1] =	stream.linear.gather [hbm4b:s10+s3], $0x4E20, $0x38;
	[tilespmem:$0x1AC80] =	vst v63  }
0x15: {  	_ =	swait.ge [sflag:s14], $0x4E20  }
0x16: {  	[sflag:s14] =	ssyncset.done $0x0  }
0x17: {  	[sflag:s14] =	ssyncadd.s32 $0xFFFFB1E0  }
0x18: {  	[tilespmem:s16], [sflag:$0x1] =	stream.linear.gather [hbm4b:s4+s3], $0x2780, $0x38;
	[tilespmem:$0x1AC80] =	vst v63  }
0x19: {  	_ =	swait.ge [sflag:s14], $0x2780  }
0x1a: {  	[sflag:s14] =	ssyncset.done $0x0  }
0x1b: {  	[sflag:s14] =	ssyncadd.s32 $0xFFFFD880  }
0x1c: {  	[tilespmem:s17], [sflag:$0x1] =	stream.linear.gather [hbm4b:s5+s3], $0x2780, $0x38;
	[tilespmem:$0x1AC80] =	vst v63  }
0x1d: {  	_ =	swait.ge [sflag:s14], $0x2780  }
0x1e: {  	[sflag:s14] =	ssyncset.done $0x0  }
0x1f: {  	[sflag:s14] =	ssyncadd.s32 $0xFFFFD880  }
0x20: {  	[tilespmem:s18], [sflag:$0x1] =	stream.linear.gather [hbm4b:s6+s3], $0x2780, $0x38;
	[tilespmem:$0x1AC80] =	vst v63  }
0x21: {  	_ =	swait.ge [sflag:s14], $0x2780  }
0x22: {  	[sflag:s14] =	ssyncset.done $0x0  }
0x23: {  	[sflag:s14] =	ssyncadd.s32 $0xFFFFD880  }
0x24: {  	[tilespmem:s19], [sflag:$0x1] =	stream.linear.gather [hbm4b:s7+s3], $0x2780, $0x38;
	[tilespmem:$0x1AC80] =	vst v63  }
0x25: {  	_ =	swait.ge [sflag:s14], $0x2780  }
0x26: {  	[sflag:s14] =	ssyncset.done $0x0  }
0x27: {  	[sflag:s14] =	ssyncadd.s32 $0xFFFFD880  }
0x28: {  	[tilespmem:s20], [sflag:$0x1] =	stream.linear.gather [hbm4b:s8+s3], $0x2780, $0x38;
	[tilespmem:$0x1AC80] =	vst v63  }
0x29: {  	_ =	swait.ge [sflag:s14], $0x2780  }
0x2a: {  	[sflag:s14] =	ssyncset.done $0x0  }
0x2b: {  	[sflag:s14] =	ssyncadd.s32 $0xFFFFD880  }
0x2c: {  	[tilespmem:s21], [sflag:$0x1] =	stream.linear.gather [hbm4b:s2+s3], $0x80, $0x38;
	[tilespmem:$0x1AC80] =	vst v63  }
0x2d: {  	_ =	swait.ge [sflag:s14], $0x80  }
0x2e: {  	[sflag:s14] =	ssyncset.done $0x0  }
0x2f: {  	s28 =	simm.s32 $0x18AC0;
	[sflag:s14] =	ssyncadd.s32 $0xFFFFFF80  }
0x30: {  	[tilespmem:s28+$0x30] =	vst v0  }
0x31: {  	[tilespmem:s28+$0xFFFFFFF0] =	vst v0  }
0x32: {  	[tilespmem:s28+$0xFFFFFFC0] =	vst v0  }
0x33: {  	[tilespmem:s28+$0xFFFFFFE0] =	vst v0  }
0x34: {  	[tilespmem:s28+$0x10] =	vst v0  }
0x35: {  	[tilespmem:s28+$0x20] =	vst v0  }
0x36: {  	[tilespmem:s28+$0x0] =	vst v0  }
0x37: {  	s29 =	simm.s32 $0x19AC0;
	[tilespmem:s28+$0xFFFFFFD0] =	vst v0  }
0x38: {  	[tilespmem:s29+$0xFFFFFFC0] =	vst v0  }
0x39: {  	[tilespmem:s29+$0x30] =	vst v0  }
0x3a: {  	[tilespmem:s29+$0x20] =	vst v0  }
0x3b: {  	[tilespmem:s29+$0x10] =	vst v0  }
0x3c: {  	[tilespmem:s29+$0xFFFFFFE0] =	vst v0  }
0x3d: {  	[tilespmem:s29+$0x0] =	vst v0  }
0x3e: {  	s31 =	simm.s32 $0x0;
	s1 =	simm.s32 $0x16320;
	s30 =	simm.s32 $0x113A0;
	[tilespmem:s29+$0xFFFFFFF0] =	vst v0  }
.LBB2_2:
0x3f: {  	s31 =	sadd.s32 $0x80, s31;
	[tilespmem:s29+$0xFFFFFFD0] =	vst v0;
	s28 =	sadd.s32 $0x80, s28;
	s29 =	sadd.s32 $0x80, s29  }
0x40: {  	[tilespmem:s28+$0x30] =	vst v0;
	p0 =	slt.u32 s31, $0xF80  }
0x41: {  	[tilespmem:s28+$0xFFFFFFF0] =	vst v0  }
0x42: {  	[tilespmem:s28+$0xFFFFFFC0] =	vst v0  }
0x43: {  	[tilespmem:s29+$0xFFFFFFC0] =	vst v0  }
0x44: {  	[tilespmem:s29+$0x30] =	vst v0  }
0x45: {  	[tilespmem:s28+$0xFFFFFFE0] =	vst v0  }
0x46: {  	[tilespmem:s28+$0x10] =	vst v0  }
0x47: {  	[tilespmem:s28+$0x20] =	vst v0  }
0x48: {  	[tilespmem:s29+$0x20] =	vst v0  }
0x49: {  	[tilespmem:s29+$0x10] =	vst v0  }
.Ltmp0:
0x4a: {  	[tilespmem:s29+$0xFFFFFFE0] =	vst v0;
	(pc) =	sbr.rel @p0 .LBB2_2-.Ltmp0, $4  }
0x4b: {  	[tilespmem:s28+$0x0] =	vst v0  }
0x4c: {  	[tilespmem:s29+$0x0] =	vst v0  }
0x4d: {  	[tilespmem:s29+$0xFFFFFFF0] =	vst v0  }
0x4e: {  	[tilespmem:s28+$0xFFFFFFD0] =	vst v0  }
0x4f: {  	[tilespmem:s29+$0xFFFFFFD0] =	vst v0  }
0x50: {  	v1 =	vld [tilespmem:s30+$0x10];
	_ =	sdelay $0x1  }
0x51: {  	v3 =	vld [tilespmem:s30+$0xFFFFFFE0]  }
0x52: {  	v4 =	vld [tilespmem:s30+$0xFFFFFFF0]  }
0x53: {  	s28 =	simm.s32 $0x113E0;
	v8 =	vld [tilespmem:s30+$0x0]  }
0x54: {  	v9 =	vld [tilespmem:s28+$0x10]  }
0x55: {  	v2 =	vld [tilespmem:s28+$0xFFFFFFF0]  }
0x56: {  	v7 =	vld [tilespmem:s28+$0xFFFFFFE0]  }
0x57: {  	v10 =	vld.idx.msk [tilespmem:v1+s21+$0x0], $0xffff  }
0x58: {  	v1 =	vld [tilespmem:s28+$0x0]  }
0x59: {  	v6 =	vld.idx.msk [tilespmem:v3+s21+$0x0], $0xffff  }
0x5a: {  	v5 =	vld.idx.msk [tilespmem:v4+s21+$0x0], $0xffff  }
0x5b: {  	v3 =	vld.idx.msk [tilespmem:v8+s21+$0x0], $0xffff  }
0x5c: {  	s29 =	simm.s32 $0x11420;
	s28 =	simm.s32 $0x40;
	v4 =	vld.idx.msk [tilespmem:v9+s21+$0x0], $0xffff;
	[tilespmem:s1+$0x10] =	vst v10  }
.LBB2_4:
0x5d: {  	v8 =	vld [tilespmem:s29+$0x10];
	s28 =	sadd.s32 $0x40, s28  }
0x5e: {  	v9 =	vld [tilespmem:s29+$0xFFFFFFF0];
	p0 =	slt.u32 s28, $0x26C0;
	[tilespmem:s1+$0xFFFFFFE0] =	vst v6  }
0x5f: {  	v10 =	vld [tilespmem:s29+$0x0];
	[tilespmem:s1+$0xFFFFFFF0] =	vst v5  }
0x60: {  	v11 =	vld [tilespmem:s29+$0xFFFFFFE0];
	[tilespmem:s1+$0x0] =	vst v3  }
.Ltmp1:
0x61: {  	s1 =	sadd.s32 $0x40, s1;
	v6 =	vld.idx.msk [tilespmem:v7+s21+$0x0], $0xffff;
	(pc) =	sbr.rel @p0 .LBB2_4-.Ltmp1, $4  }
0x62: {  	v5 =	vld.idx.msk [tilespmem:v2+s21+$0x0], $0xffff;
	[tilespmem:s1+$0x10] =	vst v4  }
0x63: {  	v3 =	vld.idx.msk [tilespmem:v1+s21+$0x0], $0xffff;
	v2 =	vmov v9  }
0x64: {  	v1 =	vmov v10  }
0x65: {  	s29 =	sadd.s32 $0x40, s29;
	v4 =	vld.idx.msk [tilespmem:v8+s21+$0x0], $0xffff;
	v7 =	vmov v11  }
0x66: {  	_ =	sdelay $0x3  }
0x67: {  	v7 =	vld.idx.msk [tilespmem:v7+s21+$0x0], $0xffff  }
0x68: {  	[tilespmem:s1+$0xFFFFFFE0] =	vst v6;
	v2 =	vld.idx.msk [tilespmem:v2+s21+$0x0], $0xffff  }
0x69: {  	v1 =	vld.idx.msk [tilespmem:v1+s21+$0x0], $0xffff;
	[tilespmem:s1+$0xFFFFFFF0] =	vst v5  }
0x6a: {  	[tilespmem:s1+$0x0] =	vst v3;
	s1 =	sadd.s32 $0x40, s1  }
0x6b: {  	[tilespmem:s1+$0x10] =	vst v4  }
0x6c: {  	[tilespmem:s1+$0xFFFFFFE0] =	vst v7  }
0x6d: {  	[tilespmem:s1+$0xFFFFFFF0] =	vst v2  }
0x6e: {  	[tilespmem:s1+$0x0] =	vst v1  }
0x6f: {  	v1 =	vld [tilespmem:$0x13A80];
	_ =	sdelay $0x7  }
0x70: {  	v1 =	vld.idx.msk [tilespmem:v1+s21+$0x0], $0xffff;
	_ =	sdelay $0x4  }
0x71: {  	s1 =	simm.s32 $0x19280;
	[tilespmem:$0x18A00] =	vst v1  }
0x72: {  	s28 =	simm.s32 $0x1A280;
	v1 =	vld [tilespmem:s1+$0xFFFFF830]  }
0x73: {  	v2 =	vld [tilespmem:s28+$0xFFFFF830]  }
0x74: {  	v3 =	vld [tilespmem:s1+$0xFFFFF930]  }
0x75: {  	v4 =	vld [tilespmem:s28+$0xFFFFF930]  }
0x76: {  	v5 =	vld [tilespmem:s1+$0xFFFFFA30]  }
0x77: {  	v6 =	vld [tilespmem:s28+$0xFFFFFA30]  }
0x78: {  	v7 =	vld [tilespmem:s1+$0xFFFFFB30]  }
0x79: {  	v8 =	vld [tilespmem:s28+$0xFFFFFB30]  }
0x7a: {  	v9 =	vld [tilespmem:s1+$0xFFFFFC30]  }
0x7b: {  	v10 =	vld [tilespmem:s28+$0xFFFFFC30]  }
0x7c: {  	v11 =	vld [tilespmem:s1+$0xFFFFFD30]  }
0x7d: {  	v12 =	vld [tilespmem:s28+$0xFFFFFD30]  }
0x7e: {  	v13 =	vld [tilespmem:s1+$0xFFFFFE30]  }
0x7f: {  	v14 =	vld [tilespmem:s28+$0xFFFFFE30]  }
0x80: {  	v15 =	vld [tilespmem:s1+$0xFFFFFF30]  }
0x81: {  	v16 =	vld [tilespmem:s28+$0xFFFFFF30]  }
0x82: {  	v17 =	vld [tilespmem:s1+$0x30]  }
0x83: {  	v18 =	vld [tilespmem:s28+$0x30]  }
0x84: {  	v19 =	vld [tilespmem:s1+$0x130]  }
0x85: {  	v20 =	vld [tilespmem:s28+$0x130]  }
0x86: {  	v21 =	vld [tilespmem:s1+$0x230]  }
0x87: {  	v22 =	vld [tilespmem:s28+$0x230]  }
0x88: {  	v23 =	vld [tilespmem:s1+$0x330]  }
0x89: {  	v24 =	vld [tilespmem:s28+$0x330]  }
0x8a: {  	v25 =	vld [tilespmem:s1+$0x430]  }
0x8b: {  	v26 =	vld [tilespmem:s28+$0x430]  }
0x8c: {  	v27 =	vld [tilespmem:s1+$0x530]  }
0x8d: {  	v28 =	vld [tilespmem:s28+$0x530]  }
0x8e: {  	v29 =	vld [tilespmem:s1+$0x630]  }
0x8f: {  	v30 =	vld [tilespmem:s28+$0x630]  }
0x90: {  	v31 =	vld [tilespmem:s1+$0x730]  }
0x91: {  	v32 =	vld [tilespmem:s28+$0x730]  }
0x92: {  	v33 =	vld [tilespmem:s28+$0xFFFFF800]  }
0x93: {  	v34 =	vld [tilespmem:s1+$0xFFFFF900]  }
0x94: {  	v35 =	vld [tilespmem:s28+$0xFFFFF900]  }
0x95: {  	v36 =	vld [tilespmem:s1+$0xFFFFF810]  }
0x96: {  	v37 =	vld [tilespmem:s28+$0xFFFFF810]  }
0x97: {  	v38 =	vld [tilespmem:s1+$0xFFFFF910]  }
0x98: {  	v39 =	vld [tilespmem:s28+$0xFFFFF910]  }
0x99: {  	v40 =	vld [tilespmem:s1+$0xFFFFF820]  }
0x9a: {  	v41 =	vld [tilespmem:s28+$0xFFFFF820]  }
0x9b: {  	v42 =	vld [tilespmem:s1+$0xFFFFF920]  }
0x9c: {  	v43 =	vld [tilespmem:s28+$0xFFFFF920]  }
0x9d: {  	v44 =	vld [tilespmem:s1+$0xFFFFF800]  }
0x9e: {  	v45 =	vld [tilespmem:s1+$0xFFFFFA00]  }
0x9f: {  	v46 =	vld [tilespmem:s28+$0xFFFFFA00]  }
0xa0: {  	v47 =	vld [tilespmem:s1+$0xFFFFFA10]  }
0xa1: {  	v48 =	vld [tilespmem:s28+$0xFFFFFA10]  }
0xa2: {  	v49 =	vld [tilespmem:s1+$0xFFFFFA20]  }
0xa3: {  	v50 =	vld [tilespmem:s28+$0xFFFFFA20]  }
0xa4: {  	v51 =	vld [tilespmem:s1+$0xFFFFFB00]  }
0xa5: {  	v52 =	vld [tilespmem:s28+$0xFFFFFB00]  }
0xa6: {  	v53 =	vld [tilespmem:s1+$0xFFFFFB10]  }
0xa7: {  	v54 =	vld [tilespmem:s28+$0xFFFFFB10]  }
0xa8: {  	v55 =	vld [tilespmem:s1+$0xFFFFFB20]  }
0xa9: {  	v56 =	vld [tilespmem:s28+$0xFFFFFB20]  }
0xaa: {  	v57 =	vld [tilespmem:s1+$0x20]  }
0xab: {  	v58 =	vld [tilespmem:s1+$0x200]  }
0xac: {  	v59 =	vld [tilespmem:s28+$0x200]  }
0xad: {  	v1 =	vadd.f32 v3, v1;
	v3 =	vld [tilespmem:s1+$0xFFFFFC00]  }
0xae: {  	v2 =	vadd.f32 v4, v2;
	v4 =	vld [tilespmem:s28+$0xFFFFFC00]  }
0xaf: {  	v60 =	vadd.f32 v38, v36;
	v38 =	vld [tilespmem:s28+$0x100]  }
0xb0: {  	v62 =	vadd.f32 v42, v40;
	v40 =	vld [tilespmem:s1+$0x110]  }
0xb1: {  	v63 =	vadd.f32 v43, v41;
	v41 =	vld [tilespmem:s28+$0x110]  }
0xb2: {  	v42 =	vld [tilespmem:s1+$0x120]  }
0xb3: {  	v43 =	vld [tilespmem:s28+$0x120]  }
0xb4: {  	v61 =	vadd.f32 v39, v37;
	v1 =	vadd.f32 v5, v1;
	v5 =	vld [tilespmem:s1+$0xFFFFFC10]  }
0xb5: {  	v2 =	vadd.f32 v6, v2;
	v6 =	vld [tilespmem:s28+$0xFFFFFC10]  }
0xb6: {  	v36 =	vadd.f32 v48, v61;
	v61 =	vld [tilespmem:s1+$0x220]  }
0xb7: {  	v37 =	vadd.f32 v49, v62;
	v62 =	vld [tilespmem:s1+$0x310]  }
0xb8: {  	v39 =	vadd.f32 v50, v63;
	v63 =	vld [tilespmem:s28+$0x310]  }
0xb9: {  	v48 =	vld [tilespmem:s28+$0x410]  }
0xba: {  	v34 =	vadd.f32 v34, v44;
	v49 =	vld [tilespmem:s1+$0x420]  }
0xbb: {  	v50 =	vld [tilespmem:s28+$0x420]  }
0xbc: {  	v34 =	vadd.f32 v45, v34;
	v1 =	vadd.f32 v7, v1;
	v7 =	vld [tilespmem:s1+$0xFFFFFC20]  }
0xbd: {  	v2 =	vadd.f32 v8, v2;
	v8 =	vld [tilespmem:s28+$0xFFFFFC20]  }
0xbe: {  	v34 =	vadd.f32 v51, v34;
	v51 =	vld [tilespmem:s1+$0x500];
	v1 =	vadd.f32 v9, v1  }
0xbf: {  	v36 =	vadd.f32 v54, v36;
	v54 =	vld [tilespmem:s28+$0x510];
	v2 =	vadd.f32 v10, v2  }
0xc0: {  	v37 =	vadd.f32 v55, v37;
	v55 =	vld [tilespmem:s1+$0x610];
	v1 =	vadd.f32 v11, v1  }
0xc1: {  	v39 =	vadd.f32 v56, v39;
	v56 =	vld [tilespmem:s28+$0x610];
	v2 =	vadd.f32 v12, v2  }
0xc2: {  	v9 =	vld [tilespmem:s1+$0xFFFFFD00];
	v1 =	vadd.f32 v13, v1  }
0xc3: {  	v10 =	vld [tilespmem:s28+$0xFFFFFD00];
	v2 =	vadd.f32 v14, v2  }
0xc4: {  	v6 =	vadd.f32 v6, v36;
	v36 =	vld [tilespmem:s1+$0x320];
	v1 =	vadd.f32 v15, v1  }
0xc5: {  	v11 =	vld [tilespmem:s1+$0xFFFFFD10];
	v2 =	vadd.f32 v16, v2  }
0xc6: {  	v12 =	vld [tilespmem:s28+$0xFFFFFD10];
	v1 =	vadd.f32 v17, v1  }
0xc7: {  	v3 =	vadd.f32 v3, v34;
	v13 =	vld [tilespmem:s1+$0xFFFFFD20];
	v2 =	vadd.f32 v18, v2  }
0xc8: {  	v7 =	vadd.f32 v7, v37;
	v14 =	vld [tilespmem:s28+$0xFFFFFD20];
	v1 =	vadd.f32 v19, v1  }
0xc9: {  	v8 =	vadd.f32 v8, v39;
	v15 =	vld [tilespmem:s1+$0xFFFFFE00];
	v2 =	vadd.f32 v20, v2  }
0xca: {  	v3 =	vadd.f32 v9, v3;
	v18 =	vld [tilespmem:s28+$0xFFFFFE10];
	v1 =	vadd.f32 v21, v1  }
0xcb: {  	v6 =	vadd.f32 v12, v6;
	v19 =	vld [tilespmem:s1+$0xFFFFFE20];
	v2 =	vadd.f32 v22, v2  }
0xcc: {  	v7 =	vadd.f32 v13, v7;
	v20 =	vld [tilespmem:s28+$0xFFFFFE20];
	v1 =	vadd.f32 v23, v1  }
0xcd: {  	v8 =	vadd.f32 v14, v8;
	v21 =	vld [tilespmem:s1+$0xFFFFFF00];
	v2 =	vadd.f32 v24, v2  }
0xce: {  	v3 =	vadd.f32 v15, v3;
	v24 =	vld [tilespmem:s28+$0xFFFFFF10];
	v1 =	vadd.f32 v25, v1  }
0xcf: {  	v6 =	vadd.f32 v18, v6;
	v25 =	vld [tilespmem:s1+$0xFFFFFF20];
	v2 =	vadd.f32 v26, v2  }
0xd0: {  	v37 =	vld [tilespmem:s28+$0x320];
	v7 =	vadd.f32 v19, v7;
	v1 =	vadd.f32 v27, v1  }
0xd1: {  	v8 =	vadd.f32 v20, v8;
	v26 =	vld [tilespmem:s28+$0xFFFFFF20];
	v2 =	vadd.f32 v28, v2  }
0xd2: {  	v3 =	vadd.f32 v21, v3;
	v27 =	vld [tilespmem:s1+$0x0];
	v1 =	vadd.f32 v29, v1  }
0xd3: {  	v39 =	vld [tilespmem:s1+$0x400];
	v6 =	vadd.f32 v24, v6;
	v2 =	vadd.f32 v30, v2  }
0xd4: {  	v30 =	vld [tilespmem:s28+$0x10];
	v7 =	vadd.f32 v25, v7;
	v31 =	vadd.f32 v31, v1  }
0xd5: {  	v1 =	vadd.f32 v32, v2;
	v2 =	vadd.f32 v35, v33;
	v32 =	vld [tilespmem:s28+$0x20]  }
0xd6: {  	v9 =	vld [tilespmem:s28+$0x220];
	v8 =	vadd.f32 v26, v8;
	v33 =	vadd.f32 v47, v60  }
0xd7: {  	v35 =	vld [tilespmem:s1+$0x100];
	v3 =	vadd.f32 v27, v3;
	v2 =	vadd.f32 v46, v2  }
0xd8: {  	v16 =	vld [tilespmem:s28+$0xFFFFFE00];
	v7 =	vadd.f32 v57, v7;
	v33 =	vadd.f32 v53, v33  }
0xd9: {  	v17 =	vld [tilespmem:s1+$0xFFFFFE10];
	v6 =	vadd.f32 v30, v6;
	v2 =	vadd.f32 v52, v2  }
0xda: {  	v22 =	vld [tilespmem:s28+$0xFFFFFF00];
	v7 =	vadd.f32 v42, v7;
	v8 =	vadd.f32 v32, v8  }
0xdb: {  	v2 =	vadd.f32 v4, v2;
	v4 =	vadd.f32 v5, v33;
	v5 =	vld [tilespmem:s28+$0x210]  }
0xdc: {  	v23 =	vld [tilespmem:s1+$0xFFFFFF10];
	v3 =	vadd.f32 v35, v3;
	v6 =	vadd.f32 v41, v6  }
0xdd: {  	v29 =	vld [tilespmem:s1+$0x10];
	v8 =	vadd.f32 v43, v8;
	v4 =	vadd.f32 v11, v4  }
0xde: {  	v3 =	vadd.f32 v58, v3;
	v2 =	vadd.f32 v10, v2;
	v10 =	vld [tilespmem:s1+$0x300]  }
0xdf: {  	v28 =	vld [tilespmem:s28+$0x0];
	v8 =	vadd.f32 v9, v8;
	v4 =	vadd.f32 v17, v4  }
0xe0: {  	v60 =	vld [tilespmem:s1+$0x210];
	v2 =	vadd.f32 v16, v2;
	v5 =	vadd.f32 v5, v6  }
0xe1: {  	v47 =	vld [tilespmem:s1+$0x410];
	v6 =	vadd.f32 v61, v7;
	v4 =	vadd.f32 v23, v4  }
0xe2: {  	v57 =	vld [tilespmem:s1+$0x620];
	v8 =	vadd.f32 v37, v8;
	v2 =	vadd.f32 v22, v2  }
0xe3: {  	v46 =	vld [tilespmem:s28+$0x400];
	v3 =	vadd.f32 v10, v3;
	v4 =	vadd.f32 v29, v4  }
0xe4: {  	v11 =	vld [tilespmem:s28+$0x300];
	v5 =	vadd.f32 v63, v5;
	v2 =	vadd.f32 v28, v2  }
0xe5: {  	v9 =	vld [tilespmem:s28+$0x520];
	v6 =	vadd.f32 v36, v6;
	v4 =	vadd.f32 v40, v4  }
0xe6: {  	v53 =	vld [tilespmem:s1+$0x510];
	v8 =	vadd.f32 v50, v8;
	v2 =	vadd.f32 v38, v2  }
0xe7: {  	v52 =	vld [tilespmem:s28+$0x500];
	v3 =	vadd.f32 v39, v3;
	v4 =	vadd.f32 v60, v4  }
0xe8: {  	v58 =	vld [tilespmem:s28+$0x620];
	v5 =	vadd.f32 v48, v5;
	v2 =	vadd.f32 v59, v2  }
0xe9: {  	v7 =	vld [tilespmem:s1+$0x520];
	v6 =	vadd.f32 v49, v6;
	v4 =	vadd.f32 v62, v4  }
0xea: {  	v10 =	vld [tilespmem:s1+$0x600];
	v63 =	vadd.f32 v9, v8;
	v2 =	vadd.f32 v11, v2  }
0xeb: {  	s29 =	simm.s32 $0x1AAA0;
	v3 =	vadd.f32 v51, v3;
	v11 =	vld [tilespmem:s28+$0x600];
	v4 =	vadd.f32 v47, v4  }
0xec: {  	s30 =	simm.s32 $0x1ABA0;
	[tilespmem:s29+$0x10] =	vst v31;
	v61 =	vadd.f32 v54, v5;
	v60 =	vld [tilespmem:s1+$0x700];
	v2 =	vadd.f32 v46, v2  }
0xed: {  	[tilespmem:s30+$0x10] =	vst v1;
	v1 =	vadd.f32 v58, v63;
	v59 =	vadd.f32 v53, v4;
	v4 =	vld [tilespmem:s28+$0x700]  }
0xee: {  	v62 =	vadd.f32 v7, v6;
	v6 =	vld [tilespmem:s1+$0x710];
	v2 =	vadd.f32 v52, v2  }
0xef: {  	v10 =	vadd.f32 v10, v3;
	v3 =	vadd.f32 v56, v61;
	v7 =	vld [tilespmem:s28+$0x710]  }
0xf0: {  	v9 =	vld [tilespmem:s1+$0x720];
	v8 =	vadd.f32 v11, v2;
	v5 =	vadd.f32 v55, v59  }
0xf1: {  	s31 =	simm.s32 $0x0;
	s1 =	simm.s32 $0x192C0;
	v2 =	vadd.f32 v57, v62;
	v11 =	vadd.f32 v60, v10;
	v10 =	vld [tilespmem:s28+$0x720]  }
.LBB2_6:
0xf2: {  	v12 =	vld [tilespmem:s1+$0xFFFFF830];
	v4 =	vadd.f32 v4, v8;
	s28 =	sadd.s32 $0x40, s28  }
0xf3: {  	v8 =	vld [tilespmem:s28+$0xFFFFF830];
	[tilespmem:s29+$0xFFFFFFE0] =	vst v11;
	v5 =	vadd.f32 v6, v5  }
0xf4: {  	v6 =	vld [tilespmem:s1+$0xFFFFF930];
	[tilespmem:s30+$0xFFFFFFE0] =	vst v4;
	v3 =	vadd.f32 v7, v3  }
0xf5: {  	s31 =	sadd.s32 $0x40, s31;
	v4 =	vld [tilespmem:s28+$0xFFFFF930];
	[tilespmem:s29+$0xFFFFFFF0] =	vst v5;
	v2 =	vadd.f32 v9, v2  }
0xf6: {  	p0 =	slt.u32 s31, $0xC0;
	v5 =	vld [tilespmem:s1+$0xFFFFFA30];
	[tilespmem:s30+$0xFFFFFFF0] =	vst v3;
	v1 =	vadd.f32 v10, v1  }
0xf7: {  	v3 =	vld [tilespmem:s28+$0xFFFFFA30];
	[tilespmem:s29+$0x0] =	vst v2  }
0xf8: {  	v2 =	vld [tilespmem:s1+$0xFFFFFB30];
	[tilespmem:s30+$0x0] =	vst v1  }
0xf9: {  	v1 =	vadd.f32 v6, v12;
	v6 =	vld [tilespmem:s28+$0xFFFFFB30]  }
0xfa: {  	v4 =	vadd.f32 v4, v8;
	v7 =	vld [tilespmem:s1+$0xFFFFFC30]  }
0xfb: {  	v1 =	vadd.f32 v5, v1;
	v5 =	vld [tilespmem:s28+$0xFFFFFC30]  }
0xfc: {  	v3 =	vadd.f32 v3, v4;
	v4 =	vld [tilespmem:s1+$0xFFFFFD30]  }
0xfd: {  	v1 =	vadd.f32 v2, v1;
	v2 =	vld [tilespmem:s28+$0xFFFFFD30]  }
0xfe: {  	v3 =	vadd.f32 v6, v3;
	v6 =	vld [tilespmem:s1+$0xFFFFFE30]  }
0xff: {  	v1 =	vadd.f32 v7, v1;
	v7 =	vld [tilespmem:s28+$0xFFFFFE30]  }
0x100: {  	v3 =	vadd.f32 v5, v3;
	v5 =	vld [tilespmem:s1+$0xFFFFFF30]  }
0x101: {  	v1 =	vadd.f32 v4, v1;
	v4 =	vld [tilespmem:s28+$0xFFFFFF30]  }
0x102: {  	v2 =	vadd.f32 v2, v3;
	v3 =	vld [tilespmem:s1+$0x30]  }
0x103: {  	v1 =	vadd.f32 v6, v1;
	v6 =	vld [tilespmem:s28+$0x30]  }
0x104: {  	v2 =	vadd.f32 v7, v2;
	v7 =	vld [tilespmem:s1+$0x130]  }
0x105: {  	v1 =	vadd.f32 v5, v1;
	v5 =	vld [tilespmem:s28+$0x130]  }
0x106: {  	v2 =	vadd.f32 v4, v2;
	v4 =	vld [tilespmem:s1+$0x230]  }
0x107: {  	v1 =	vadd.f32 v3, v1;
	v3 =	vld [tilespmem:s28+$0x230]  }
0x108: {  	v2 =	vadd.f32 v6, v2;
	v6 =	vld [tilespmem:s1+$0x330]  }
0x109: {  	v1 =	vadd.f32 v7, v1;
	v7 =	vld [tilespmem:s28+$0x330]  }
0x10a: {  	v2 =	vadd.f32 v5, v2;
	v5 =	vld [tilespmem:s1+$0x430]  }
0x10b: {  	v1 =	vadd.f32 v4, v1;
	v4 =	vld [tilespmem:s28+$0x430]  }
0x10c: {  	v2 =	vadd.f32 v3, v2;
	v3 =	vld [tilespmem:s1+$0x530]  }
0x10d: {  	v1 =	vadd.f32 v6, v1;
	v6 =	vld [tilespmem:s28+$0x530]  }
0x10e: {  	v2 =	vadd.f32 v7, v2;
	v7 =	vld [tilespmem:s1+$0x630]  }
0x10f: {  	v1 =	vadd.f32 v5, v1;
	v5 =	vld [tilespmem:s28+$0x630]  }
0x110: {  	v2 =	vadd.f32 v4, v2;
	v4 =	vld [tilespmem:s1+$0x730]  }
0x111: {  	v1 =	vadd.f32 v3, v1;
	v3 =	vld [tilespmem:s28+$0x730]  }
0x112: {  	v8 =	vld [tilespmem:s28+$0xFFFFF800];
	v2 =	vadd.f32 v6, v2  }
0x113: {  	v6 =	vld [tilespmem:s1+$0xFFFFF900];
	v1 =	vadd.f32 v7, v1  }
0x114: {  	v7 =	vld [tilespmem:s28+$0xFFFFF900];
	v2 =	vadd.f32 v5, v2  }
0x115: {  	v5 =	vld [tilespmem:s1+$0xFFFFF810];
	v1 =	vadd.f32 v4, v1  }
0x116: {  	s29 =	sadd.s32 $0x40, s29;
	v4 =	vld [tilespmem:s28+$0xFFFFF810];
	v2 =	vadd.f32 v3, v2  }
0x117: {  	s30 =	sadd.s32 $0x40, s30;
	v3 =	vld [tilespmem:s1+$0xFFFFF910];
	[tilespmem:s29+$0x10] =	vst v1  }
0x118: {  	v1 =	vld [tilespmem:s28+$0xFFFFF910];
	[tilespmem:s30+$0x10] =	vst v2  }
0x119: {  	v2 =	vadd.f32 v7, v8;
	v7 =	vld [tilespmem:s1+$0xFFFFF820]  }
0x11a: {  	v8 =	vld [tilespmem:s28+$0xFFFFF820]  }
0x11b: {  	v9 =	vld [tilespmem:s1+$0xFFFFF920]  }
0x11c: {  	v3 =	vadd.f32 v3, v5;
	v5 =	vld [tilespmem:s28+$0xFFFFF920]  }
0x11d: {  	v10 =	vld [tilespmem:s1+$0xFFFFF800];
	v1 =	vadd.f32 v1, v4  }
0x11e: {  	v4 =	vld [tilespmem:s1+$0xFFFFFA00]  }
0x11f: {  	v11 =	vld [tilespmem:s28+$0xFFFFFA00]  }
0x120: {  	v12 =	vld [tilespmem:s1+$0xFFFFFA10];
	v7 =	vadd.f32 v9, v7  }
0x121: {  	v9 =	vld [tilespmem:s28+$0xFFFFFA10];
	v5 =	vadd.f32 v5, v8  }
0x122: {  	v6 =	vadd.f32 v6, v10;
	v8 =	vld [tilespmem:s1+$0xFFFFFA20]  }
0x123: {  	v10 =	vld [tilespmem:s28+$0xFFFFFA20]  }
0x124: {  	v4 =	vadd.f32 v4, v6;
	v2 =	vadd.f32 v11, v2;
	v6 =	vld [tilespmem:s1+$0xFFFFFB00]  }
0x125: {  	v11 =	vld [tilespmem:s28+$0xFFFFFB00];
	v3 =	vadd.f32 v12, v3  }
0x126: {  	v1 =	vadd.f32 v9, v1;
	v9 =	vld [tilespmem:s1+$0xFFFFFB10]  }
0x127: {  	v12 =	vld [tilespmem:s28+$0xFFFFFB10];
	v7 =	vadd.f32 v8, v7  }
0x128: {  	v5 =	vadd.f32 v10, v5;
	v8 =	vld [tilespmem:s1+$0xFFFFFB20]  }
0x129: {  	v4 =	vadd.f32 v6, v4;
	v6 =	vld [tilespmem:s28+$0xFFFFFB20]  }
0x12a: {  	v2 =	vadd.f32 v11, v2;
	v10 =	vld [tilespmem:s1+$0xFFFFFC00]  }
0x12b: {  	v11 =	vld [tilespmem:s28+$0xFFFFFC00];
	v3 =	vadd.f32 v9, v3  }
0x12c: {  	v1 =	vadd.f32 v12, v1;
	v9 =	vld [tilespmem:s1+$0xFFFFFC10]  }
0x12d: {  	v12 =	vld [tilespmem:s28+$0xFFFFFC10];
	v7 =	vadd.f32 v8, v7  }
0x12e: {  	v5 =	vadd.f32 v6, v5;
	v6 =	vld [tilespmem:s1+$0xFFFFFC20]  }
0x12f: {  	v4 =	vadd.f32 v10, v4;
	v8 =	vld [tilespmem:s28+$0xFFFFFC20]  }
0x130: {  	v2 =	vadd.f32 v11, v2;
	v10 =	vld [tilespmem:s1+$0xFFFFFD00]  }
0x131: {  	v11 =	vld [tilespmem:s28+$0xFFFFFD00];
	v3 =	vadd.f32 v9, v3  }
0x132: {  	v1 =	vadd.f32 v12, v1;
	v9 =	vld [tilespmem:s1+$0xFFFFFD10]  }
0x133: {  	v12 =	vld [tilespmem:s28+$0xFFFFFD10];
	v6 =	vadd.f32 v6, v7  }
0x134: {  	v5 =	vadd.f32 v8, v5;
	v7 =	vld [tilespmem:s1+$0xFFFFFD20]  }
0x135: {  	v4 =	vadd.f32 v10, v4;
	v8 =	vld [tilespmem:s28+$0xFFFFFD20]  }
0x136: {  	v2 =	vadd.f32 v11, v2;
	v10 =	vld [tilespmem:s1+$0xFFFFFE00]  }
0x137: {  	v11 =	vld [tilespmem:s28+$0xFFFFFE00];
	v3 =	vadd.f32 v9, v3  }
0x138: {  	v1 =	vadd.f32 v12, v1;
	v9 =	vld [tilespmem:s1+$0xFFFFFE10]  }
0x139: {  	v12 =	vld [tilespmem:s28+$0xFFFFFE10];
	v6 =	vadd.f32 v7, v6  }
0x13a: {  	v5 =	vadd.f32 v8, v5;
	v7 =	vld [tilespmem:s1+$0xFFFFFE20]  }
0x13b: {  	v4 =	vadd.f32 v10, v4;
	v8 =	vld [tilespmem:s28+$0xFFFFFE20]  }
0x13c: {  	v2 =	vadd.f32 v11, v2;
	v10 =	vld [tilespmem:s1+$0xFFFFFF00]  }
0x13d: {  	v11 =	vld [tilespmem:s28+$0xFFFFFF00];
	v3 =	vadd.f32 v9, v3  }
0x13e: {  	v1 =	vadd.f32 v12, v1;
	v9 =	vld [tilespmem:s1+$0xFFFFFF10]  }
0x13f: {  	v12 =	vld [tilespmem:s28+$0xFFFFFF10];
	v6 =	vadd.f32 v7, v6  }
0x140: {  	v5 =	vadd.f32 v8, v5;
	v7 =	vld [tilespmem:s1+$0xFFFFFF20]  }
0x141: {  	v4 =	vadd.f32 v10, v4;
	v8 =	vld [tilespmem:s28+$0xFFFFFF20]  }
0x142: {  	v2 =	vadd.f32 v11, v2;
	v10 =	vld [tilespmem:s1+$0x0]  }
0x143: {  	v11 =	vld [tilespmem:s28+$0x0];
	v3 =	vadd.f32 v9, v3  }
0x144: {  	v1 =	vadd.f32 v12, v1;
	v9 =	vld [tilespmem:s1+$0x10]  }
0x145: {  	v12 =	vld [tilespmem:s28+$0x10];
	v6 =	vadd.f32 v7, v6  }
0x146: {  	v5 =	vadd.f32 v8, v5;
	v7 =	vld [tilespmem:s1+$0x20]  }
0x147: {  	v4 =	vadd.f32 v10, v4;
	v8 =	vld [tilespmem:s28+$0x20]  }
0x148: {  	v2 =	vadd.f32 v11, v2;
	v10 =	vld [tilespmem:s1+$0x100]  }
0x149: {  	v11 =	vld [tilespmem:s28+$0x100];
	v3 =	vadd.f32 v9, v3  }
0x14a: {  	v1 =	vadd.f32 v12, v1;
	v9 =	vld [tilespmem:s1+$0x110]  }
0x14b: {  	v12 =	vld [tilespmem:s28+$0x110];
	v6 =	vadd.f32 v7, v6  }
0x14c: {  	v5 =	vadd.f32 v8, v5;
	v7 =	vld [tilespmem:s1+$0x120]  }
0x14d: {  	v4 =	vadd.f32 v10, v4;
	v8 =	vld [tilespmem:s28+$0x120]  }
0x14e: {  	v2 =	vadd.f32 v11, v2;
	v10 =	vld [tilespmem:s1+$0x200]  }
0x14f: {  	v11 =	vld [tilespmem:s28+$0x200];
	v3 =	vadd.f32 v9, v3  }
0x150: {  	v1 =	vadd.f32 v12, v1;
	v9 =	vld [tilespmem:s1+$0x210]  }
0x151: {  	v12 =	vld [tilespmem:s28+$0x210];
	v6 =	vadd.f32 v7, v6  }
0x152: {  	v5 =	vadd.f32 v8, v5;
	v7 =	vld [tilespmem:s1+$0x220]  }
0x153: {  	v4 =	vadd.f32 v10, v4;
	v8 =	vld [tilespmem:s28+$0x220]  }
0x154: {  	v2 =	vadd.f32 v11, v2;
	v10 =	vld [tilespmem:s1+$0x300]  }
0x155: {  	v11 =	vld [tilespmem:s28+$0x300];
	v3 =	vadd.f32 v9, v3  }
0x156: {  	v1 =	vadd.f32 v12, v1;
	v9 =	vld [tilespmem:s1+$0x310]  }
0x157: {  	v12 =	vld [tilespmem:s28+$0x310];
	v6 =	vadd.f32 v7, v6  }
0x158: {  	v5 =	vadd.f32 v8, v5;
	v7 =	vld [tilespmem:s1+$0x320]  }
0x159: {  	v4 =	vadd.f32 v10, v4;
	v8 =	vld [tilespmem:s28+$0x320]  }
0x15a: {  	v2 =	vadd.f32 v11, v2;
	v10 =	vld [tilespmem:s1+$0x400]  }
0x15b: {  	v11 =	vld [tilespmem:s28+$0x400];
	v3 =	vadd.f32 v9, v3  }
0x15c: {  	v1 =	vadd.f32 v12, v1;
	v9 =	vld [tilespmem:s1+$0x410]  }
0x15d: {  	v12 =	vld [tilespmem:s28+$0x410];
	v6 =	vadd.f32 v7, v6  }
0x15e: {  	v5 =	vadd.f32 v8, v5;
	v7 =	vld [tilespmem:s1+$0x420]  }
0x15f: {  	v4 =	vadd.f32 v10, v4;
	v8 =	vld [tilespmem:s28+$0x420]  }
0x160: {  	v2 =	vadd.f32 v11, v2;
	v10 =	vld [tilespmem:s1+$0x500]  }
0x161: {  	v11 =	vld [tilespmem:s28+$0x500];
	v3 =	vadd.f32 v9, v3  }
0x162: {  	v1 =	vadd.f32 v12, v1;
	v9 =	vld [tilespmem:s1+$0x510]  }
0x163: {  	v12 =	vld [tilespmem:s28+$0x510];
	v6 =	vadd.f32 v7, v6  }
0x164: {  	v5 =	vadd.f32 v8, v5;
	v7 =	vld [tilespmem:s1+$0x520]  }
0x165: {  	v4 =	vadd.f32 v10, v4;
	v8 =	vld [tilespmem:s28+$0x520]  }
0x166: {  	v2 =	vadd.f32 v11, v2;
	v10 =	vld [tilespmem:s1+$0x600]  }
0x167: {  	v11 =	vld [tilespmem:s28+$0x600];
	v3 =	vadd.f32 v9, v3  }
0x168: {  	v1 =	vadd.f32 v12, v1;
	v9 =	vld [tilespmem:s1+$0x610]  }
0x169: {  	v12 =	vld [tilespmem:s28+$0x610];
	v13 =	vadd.f32 v7, v6  }
0x16a: {  	v14 =	vadd.f32 v8, v5;
	v15 =	vld [tilespmem:s1+$0x620]  }
0x16b: {  	v10 =	vadd.f32 v10, v4;
	v16 =	vld [tilespmem:s28+$0x620]  }
0x16c: {  	v8 =	vadd.f32 v11, v2;
	v11 =	vld [tilespmem:s1+$0x700]  }
.Ltmp2:
0x16d: {  	v4 =	vld [tilespmem:s28+$0x700];
	v5 =	vadd.f32 v9, v3;
	(pc) =	sbr.rel @p0 .LBB2_6-.Ltmp2, $4  }
0x16e: {  	v3 =	vadd.f32 v12, v1;
	v6 =	vld [tilespmem:s1+$0x710]  }
0x16f: {  	v7 =	vld [tilespmem:s28+$0x710];
	v2 =	vadd.f32 v15, v13  }
0x170: {  	v1 =	vadd.f32 v16, v14;
	v9 =	vld [tilespmem:s1+$0x720]  }
0x171: {  	s1 =	sadd.s32 $0x40, s1;
	v11 =	vadd.f32 v11, v10;
	v10 =	vld [tilespmem:s28+$0x720]  }
0x172: {  	v4 =	vadd.f32 v4, v8  }
0x173: {  	[tilespmem:s29+$0xFFFFFFE0] =	vst v11;
	v5 =	vadd.f32 v6, v5  }
0x174: {  	[tilespmem:s30+$0xFFFFFFE0] =	vst v4;
	v3 =	vadd.f32 v7, v3  }
0x175: {  	[tilespmem:s29+$0xFFFFFFF0] =	vst v5;
	v2 =	vadd.f32 v9, v2  }
0x176: {  	[tilespmem:s30+$0xFFFFFFF0] =	vst v3;
	v1 =	vadd.f32 v10, v1  }
0x177: {  	[tilespmem:s29+$0x0] =	vst v2  }
0x178: {  	[tilespmem:s30+$0x0] =	vst v1  }
0x179: {  	[hbm4b:s11+s22] =	stream.strided.scatter [tilespmem:s24], [sflag:$0x1], $0x100, s23, s22, $0x38;
	[tilespmem:$0x1AC80] =	vst v63  }
0x17a: {  	s26 =	sadd.s32 $0x1, s26;
	_ =	swait.ge [sflag:s14], $0x100  }
0x17b: {  	p0 =	sne.s32 s26, s13;
	[sflag:s14] =	ssyncset.done $0x0  }
.Ltmp3:
0x17c: {  	[sflag:s14] =	ssyncadd.s32 $0xFFFFFF00;
	(pc) =	sbr.rel @p0 .LBB2_1-.Ltmp3, $4  }
0x17d: {  	[hbm4b:s12+s22] =	stream.strided.scatter [tilespmem:s25], [sflag:$0x1], $0x100, s23, s22, $0x38;
	[tilespmem:$0x1AC80] =	vst v63  }
0x17e: {  	_ =	swait.ge [sflag:s14], $0x100  }
0x17f: {  	[sflag:s14] =	ssyncset.done $0x0  }
0x180: {  	[sflag:s14] =	ssyncadd.s32 $0xFFFFFF00  }
0x181: {  	_ =	sfence.sel $0x180000  }
0x182: {  	[bflag:$0x0] =	sbarrier.arrive $0xFFFF  }
0x183: {  	_ =	strace $0x90000047  }
0x184: {  	[bflag:$0x2] =	sbarrier.arrive $0xFFFF  }
0x185: {  	p0 =	sne.s32 s0, $0x0;
	s0 =	rddreg [dreg:$0x2]  }
0x186: {  	s0 =	sadd.s32 @!p0 $0x100000, s0  }
0x187: {  	[sflag:s0] =	ssyncadd.tile.s32 @!p0 $0x1;
	_ =	shalt  }
.Lfunc_end2:
_tile_overlayer_lowered:
.L_overlay_start_2:
0x188: {  	(tag) =	ssettag $0x2  }
0x189: {  	s0 =	rddreg [dreg:$0x0];
	s2 =	stileid.u32  }
0x18a: {  	s1 =	rddreg [dreg:$0x1];
	p0 =	sne.s32 s2, $0x0  }
0x18b: {  	s3 =	rddreg [dreg:$0x2];
	[bflag:$0x3] =	sbarrier.arrive $0xFFFF;
	s2 =	simm.s32 @!p0 $0x1C01  }
0x18c: {  	[timem:s3], [sflag:s2] =	dma.local @!p0 [hbm:s0], s1  }
0x18d: {  	s0 =	simm.s32 @!p0 $0x1  }
0x18e: {  	_ =	swait.ge @!p0 [sflag:s0], s1  }
0x18f: {  	s1 =	ssub.s32 @!p0 $0x0, s1;
	[sflag:s0] =	ssyncset.done @!p0 $0x0  }
0x190: {  	[sflag:s0] =	ssyncadd.s32 @!p0 s1  }
0x191: {  	[bflag:$0x3] =	sbarrier.arrive $0xFFFF  }
0x192: {  	_ =	shalt  }

</sc_bundles>
